<compile_context>
chip_gen: v7x
topology: tpu7x:2x2x1
jax: 0.10.2.dev20260603
libtpu: 0.0.44.dev20260713+nightly
codegen_flags: <defaults>
</compile_context>

<pallas_src>
import functools

import jax
import jax.numpy as jnp
from jax import lax
from jax.experimental import pallas as pl
from jax.experimental.pallas import tpu as pltpu
from jax.experimental.pallas import tpu_sc as plsc

B, P, H, W = 8, 100000, 512, 512
HW = H * W
BP = B * P
PMAIN = 99968
PREM = P - PMAIN
PADP = 100096
BPP = B * PADP
ROWS_P = BPP // 128
NC, NS = 2, 16
SLI = HW // NS
CNT = PADP // NS

_mesh = plsc.VectorSubcoreMesh(core_axis_name="c", subcore_axis_name="s")


def _idx_body(xam, xar, yam, yar, xbm, xbr, ybm, ybr, om, orr,
              ia_ref, ib_ref, op_ref):
    lane = lax.broadcasted_iota(jnp.int32, (1, 128), 1).reshape(128)
    valid = lane < PREM

    def side(xm, ym, xr, yr):
        main = ym[...] * W + xm[...]
        remv = yr[...] * W + xr[...]
        pieces = []
        for b in range(B):
            base = (b % 2) * HW
            pieces.append((main[b : b + 1] + base).reshape(PMAIN))
            pieces.append(jnp.where(
                valid, remv[b : b + 1].reshape(128) + base, 0))
        return jnp.concatenate(pieces, axis=0)

    ia_ref[...] = side(xam, yam, xar, yar)
    ib_ref[...] = side(xbm, ybm, xbr, ybr)
    opieces = []
    for b in range(B):
        opieces.append(om[b : b + 1].reshape(PMAIN))
        opieces.append(jnp.where(valid, orr[b : b + 1].reshape(128), 0.0))
    op_ref[...] = jnp.concatenate(opieces, axis=0)


def _in_pair():
    return (
        pl.BlockSpec((B, PMAIN), lambda i: (0, 0)),
        pl.BlockSpec((B, 128), lambda i: (0, PMAIN // 128)),
    )


_idx_call = pl.pallas_call(
    _idx_body,
    grid=(1,),
    out_specs=(
        pl.BlockSpec((BPP,), lambda i: (0,)),
        pl.BlockSpec((BPP,), lambda i: (0,)),
        pl.BlockSpec((BPP,), lambda i: (0,)),
    ),
    in_specs=[
        *_in_pair(),
        *_in_pair(),
        *_in_pair(),
        *_in_pair(),
        *_in_pair(),
    ],
    out_shape=(
        jax.ShapeDtypeStruct((BPP,), jnp.int32),
        jax.ShapeDtypeStruct((BPP,), jnp.int32),
        jax.ShapeDtypeStruct((BPP,), jnp.float32),
    ),
)


@functools.partial(
    pl.kernel,
    mesh=_mesh,
    out_type=(
        jax.ShapeDtypeStruct((BPP,), jnp.float32),
        jax.ShapeDtypeStruct((BPP,), jnp.float32),
    ),
    scratch_types=[
        pltpu.VMEM((2 * CNT,), jnp.int32),
        pltpu.VMEM((2 * CNT,), jnp.int32),
        pltpu.VMEM((2 * CNT,), jnp.int32),
        pltpu.VMEM((2 * CNT,), jnp.int32),
        pltpu.VMEM((2 * CNT,), jnp.float32),
        pltpu.VMEM((2 * CNT,), jnp.float32),
        pltpu.VMEM_SHARED((2 * HW,), jnp.float32),
        pltpu.SemaphoreType.DMA,
        pltpu.SemaphoreType.DMA,
        pltpu.SemaphoreType.DMA,
    ],
)
def _sc_gather(depth, idx_a, idx_b, out_a, out_b, via0, vib0, via1, vib1,
               z_a, z_b, spmem, sem_s, sem_a, sem_b):
    c = lax.axis_index("c")
    s = lax.axis_index("s")
    C2 = 2 * CNT
    SL2 = 2 * HW // NS
    bufs = ((via0, vib0), (via1, vib1))

    def stage(k):
        dbase = (4 * c + 2 * k) * HW + s * SL2
        return pltpu.async_copy(
            depth.at[pl.ds(pl.multiple_of(dbase, 8), SL2)],
            spmem.at[pl.ds(s * SL2, SL2)], sem_s)

    def ldidx(k):
        gb = pl.multiple_of((4 * c + 2 * k) * PADP + s * C2, 8)
        va, vb = bufs[k]
        pltpu.sync_copy(idx_a.at[pl.ds(gb, C2)], va)
        pltpu.sync_copy(idx_b.at[pl.ds(gb, C2)], vb)

    def gathers(k):
        gb = pl.multiple_of((4 * c + 2 * k) * PADP + s * C2, 8)
        va, vb = bufs[k]
        cp_a = pltpu.async_copy(spmem.at[va], z_a, sem_a)
        cp_b = pltpu.async_copy(spmem.at[vb], z_b, sem_b)
        if k == 0:
            ldidx(1)
        cp_a.wait()
        pltpu.sync_copy(z_a, out_a.at[pl.ds(gb, C2)])
        cp_b.wait()
        pltpu.sync_copy(z_b, out_b.at[pl.ds(gb, C2)])

    st = stage(0)
    ldidx(0)
    st.wait()
    plsc.subcore_barrier()
    gathers(0)
    plsc.subcore_barrier()
    stage(1).wait()
    plsc.subcore_barrier()
    gathers(1)


_LGRID = 2
_LROWS = ROWS_P // _LGRID


def _loss_body(za_ref, zb_ref, g_ref, o_ref):
    d = za_ref[...] - zb_ref[...]
    g = g_ref[...]
    mask = jnp.abs(g)
    loss = mask * jnp.log(1.0 + jnp.exp(-g * d)) + (1.0 - mask) * (d * d)
    o_ref[0, 0] = jnp.sum(loss) / BP


_loss_call = pl.pallas_call(
    _loss_body,
    out_shape=jax.ShapeDtypeStruct((1, 1), jnp.float32),
    out_specs=pl.BlockSpec(memory_space=pltpu.SMEM),
)


def kernel(input, x_A, y_A, x_B, y_B, ordinal_relation):
    depth = input.reshape(B * H * W)
    ia, ib, ordp = _idx_call(x_A, x_A, y_A, y_A, x_B, x_B, y_B, y_B,
                             ordinal_relation, ordinal_relation)
    z_a, z_b = _sc_gather(depth, ia, ib)
    out = _loss_call(
        z_a.reshape(ROWS_P, 128),
        z_b.reshape(ROWS_P, 128),
        ordp.reshape(ROWS_P, 128),
    )
    return out.reshape(1)

# --- scband reference (transcript-rebuilt; emitter-appended) ---
"""Pipeline reference for scband-relative-depth-crit-77567109366401 (READ-ONLY COPY).

The authoritative reference and input builder live on the scoring server;
editing this copy changes nothing except your own understanding.
"""

import jax, jax.numpy as jnp
import numpy as np

B, P, H, W = 8, 100000, 512, 512

def setup_inputs(seed: int = 0) -> dict:
    key = jax.random.key(seed)
    ks = jax.random.split(key, 6)
    inp = jax.random.normal(ks[0], (B, 1, H, W), dtype=jnp.float32)
    x_A = jax.random.randint(ks[1], (B, P), 0, W)
    y_A = jax.random.randint(ks[2], (B, P), 0, H)
    x_B = jax.random.randint(ks[3], (B, P), 0, W)
    y_B = jax.random.randint(ks[4], (B, P), 0, H)
    # ordinal relation in {-1, 0, 1}: -1/+1 = ordered pair, 0 = equal depth
    ordinal = (jax.random.randint(ks[5], (B, P), 0, 3) - 1).astype(jnp.float32)
    return {"input": inp, "x_A": x_A, "y_A": y_A, "x_B": x_B, "y_B": y_B,
            "ordinal_relation": ordinal}

def reference(input, x_A, y_A, x_B, y_B, ordinal_relation):
    # input: [B, 1, H, W]; per-batch gather of point depths, vectorized over batch
    depth = input[:, 0]                      # [B, H, W]
    bidx = jnp.arange(depth.shape[0])[:, None]
    z_A = depth[bidx, y_A, x_A]              # [B, P]  (== index_select + gather in torch)
    z_B = depth[bidx, y_B, x_B]              # [B, P]
    gt = ordinal_relation
    mask = jnp.abs(gt)
    diff = z_A - z_B
    loss = mask * jnp.log(1.0 + jnp.exp(-gt * diff)) + (1.0 - mask) * diff ** 2
    n_point_total = gt.size                  # sum over batches of target[b]['n_point']
    out = jnp.sum(loss).reshape(1)           # matches torch output shape [1]
    return out / n_point_total

if __name__ == "__main__":
    import jax
    _d = setup_inputs()
    print(jax.jit(kernel)(*tuple(_d.values())))

</pallas_src>

<mosaic_0001>
#map = affine_map<(d0, d1) -> (0)>
module attributes {stable_mosaic.version = 14 : i64} {
  func.func @_sc_gather(%arg0: i32, %arg1: i32, %arg2: memref<2097152xf32, #tpu.memory_space<hbm>>, %arg3: memref<800768xi32, #tpu.memory_space<hbm>>, %arg4: memref<800768xi32, #tpu.memory_space<hbm>>, %arg5: memref<800768xf32, #tpu.memory_space<hbm>>, %arg6: memref<800768xf32, #tpu.memory_space<hbm>>, %arg7: memref<12512xi32, #tpu.memory_space<vmem>>, %arg8: memref<12512xi32, #tpu.memory_space<vmem>>, %arg9: memref<12512xi32, #tpu.memory_space<vmem>>, %arg10: memref<12512xi32, #tpu.memory_space<vmem>>, %arg11: memref<12512xf32, #tpu.memory_space<vmem>>, %arg12: memref<12512xf32, #tpu.memory_space<vmem>>, %arg13: memref<524288xf32, #tpu.memory_space<vmem_shared>>, %arg14: memref<!tpu.dma_semaphore, #tpu.memory_space<semaphore_mem>>, %arg15: memref<!tpu.dma_semaphore, #tpu.memory_space<semaphore_mem>>, %arg16: memref<!tpu.dma_semaphore, #tpu.memory_space<semaphore_mem>>) attributes {dimension_semantics = [#tpu.dimension_semantics<core_parallel>, #tpu.dimension_semantics<subcore_parallel>], iteration_bounds = array<i64: 2, 16>, scalar_prefetch = 0 : i64, scratch_operands = 10 : i64, tpu.core_type = #tpu.core_type<sc_vector_subcore>, window_params = [{transform_indices = #map}, {transform_indices = #map}, {transform_indices = #map}, {transform_indices = #map}, {transform_indices = #map}]} {
    %mul3A = arith.constant 4 : i32
    %mul3A_0 = arith.muli %mul3A, %arg0 : i32
    %add3A = arith.constant 0 : i32
    %add3A_1 = arith.addi %mul3A_0, %add3A : i32
    %mul3A_2 = arith.constant 262144 : i32
    %mul3A_3 = arith.muli %add3A_1, %mul3A_2 : i32
    %mul3A_4 = arith.constant 32768 : i32
    %mul3A_5 = arith.muli %arg1, %mul3A_4 : i32
    %add3A_6 = arith.addi %mul3A_3, %mul3A_5 : i32
    %multiple_of3A = tpu.assume_multiple %add3A_6, 8 : i32
    %mul3A_7 = arith.constant 32768 : i32
    %mul3A_8 = arith.muli %arg1, %mul3A_7 : i32
    %dma_start3A = tpu.memref_slice %arg13[%mul3A_8] : memref<524288xf32, #tpu.memory_space<vmem_shared>> -> memref<32768xf32, #tpu.memory_space<vmem_shared>>
    %dma_start3A_9 = tpu.memref_slice %arg2[%multiple_of3A] : memref<2097152xf32, #tpu.memory_space<hbm>> -> memref<32768xf32, #tpu.memory_space<hbm>>
    tpu.enqueue_dma source(%dma_start3A_9 : memref<32768xf32, #tpu.memory_space<hbm>>) target(%dma_start3A : memref<32768xf32, #tpu.memory_space<vmem_shared>>) target_semaphore(%arg14 : memref<!tpu.dma_semaphore, #tpu.memory_space<semaphore_mem>>)
    %mul3A_10 = arith.constant 4 : i32
    %mul3A_11 = arith.muli %mul3A_10, %arg0 : i32
    %add3A_12 = arith.constant 0 : i32
    %add3A_13 = arith.addi %mul3A_11, %add3A_12 : i32
    %mul3A_14 = arith.constant 100096 : i32
    %mul3A_15 = arith.muli %add3A_13, %mul3A_14 : i32
    %mul3A_16 = arith.constant 12512 : i32
    %mul3A_17 = arith.muli %arg1, %mul3A_16 : i32
    %add3A_18 = arith.addi %mul3A_15, %mul3A_17 : i32
    %multiple_of3A_19 = tpu.assume_multiple %add3A_18, 8 : i32
    "tpu.region"() ({
      %run_scoped3A = tpu.sem_alloc : memref<!tpu.dma_semaphore, #tpu.memory_space<semaphore_mem>>
      %dma_start3A_85 = tpu.memref_slice %arg3[%multiple_of3A_19] : memref<800768xi32, #tpu.memory_space<hbm>> -> memref<12512xi32, #tpu.memory_space<hbm>>
      %dma_start3A_86 = tpu.memref_slice %arg3[%multiple_of3A_19] : memref<800768xi32, #tpu.memory_space<hbm>> -> memref<12512xi32, #tpu.memory_space<hbm>>
      tpu.enqueue_dma source(%dma_start3A_86 : memref<12512xi32, #tpu.memory_space<hbm>>) target(%arg7 : memref<12512xi32, #tpu.memory_space<vmem>>) target_semaphore(%run_scoped3A : memref<!tpu.dma_semaphore, #tpu.memory_space<semaphore_mem>>)
      %dma_wait3A_87 = tpu.memref_slice %arg3[%multiple_of3A_19] : memref<800768xi32, #tpu.memory_space<hbm>> -> memref<12512xi32, #tpu.memory_space<hbm>>
      %dma_wait3A_88 = tpu.memref_slice %arg3[%multiple_of3A_19] : memref<800768xi32, #tpu.memory_space<hbm>> -> memref<12512xi32, #tpu.memory_space<hbm>>
      tpu.wait_dma2 semaphore(%run_scoped3A : memref<!tpu.dma_semaphore, #tpu.memory_space<semaphore_mem>>) src(%dma_wait3A_88 : memref<12512xi32, #tpu.memory_space<hbm>>) dst(%arg7 : memref<12512xi32, #tpu.memory_space<vmem>>)
      tpu.yield
    }) : () -> ()
    "tpu.region"() ({
      %run_scoped3A = tpu.sem_alloc : memref<!tpu.dma_semaphore, #tpu.memory_space<semaphore_mem>>
      %dma_start3A_85 = tpu.memref_slice %arg4[%multiple_of3A_19] : memref<800768xi32, #tpu.memory_space<hbm>> -> memref<12512xi32, #tpu.memory_space<hbm>>
      %dma_start3A_86 = tpu.memref_slice %arg4[%multiple_of3A_19] : memref<800768xi32, #tpu.memory_space<hbm>> -> memref<12512xi32, #tpu.memory_space<hbm>>
      tpu.enqueue_dma source(%dma_start3A_86 : memref<12512xi32, #tpu.memory_space<hbm>>) target(%arg8 : memref<12512xi32, #tpu.memory_space<vmem>>) target_semaphore(%run_scoped3A : memref<!tpu.dma_semaphore, #tpu.memory_space<semaphore_mem>>)
      %dma_wait3A_87 = tpu.memref_slice %arg4[%multiple_of3A_19] : memref<800768xi32, #tpu.memory_space<hbm>> -> memref<12512xi32, #tpu.memory_space<hbm>>
      %dma_wait3A_88 = tpu.memref_slice %arg4[%multiple_of3A_19] : memref<800768xi32, #tpu.memory_space<hbm>> -> memref<12512xi32, #tpu.memory_space<hbm>>
      tpu.wait_dma2 semaphore(%run_scoped3A : memref<!tpu.dma_semaphore, #tpu.memory_space<semaphore_mem>>) src(%dma_wait3A_88 : memref<12512xi32, #tpu.memory_space<hbm>>) dst(%arg8 : memref<12512xi32, #tpu.memory_space<vmem>>)
      tpu.yield
    }) : () -> ()
    %dma_wait3A = tpu.memref_slice %arg13[%mul3A_8] : memref<524288xf32, #tpu.memory_space<vmem_shared>> -> memref<32768xf32, #tpu.memory_space<vmem_shared>>
    %dma_wait3A_20 = tpu.memref_slice %arg2[%multiple_of3A] : memref<2097152xf32, #tpu.memory_space<hbm>> -> memref<32768xf32, #tpu.memory_space<hbm>>
    tpu.wait_dma2 semaphore(%arg14 : memref<!tpu.dma_semaphore, #tpu.memory_space<semaphore_mem>>) src(%dma_wait3A_20 : memref<32768xf32, #tpu.memory_space<hbm>>) dst(%dma_wait3A : memref<32768xf32, #tpu.memory_space<vmem_shared>>)
    %barrier3A = arith.constant 0 : index
    tpu.barrier barrier_id(%barrier3A)
    %mul3A_21 = arith.constant 4 : i32
    %mul3A_22 = arith.muli %mul3A_21, %arg0 : i32
    %add3A_23 = arith.constant 0 : i32
    %add3A_24 = arith.addi %mul3A_22, %add3A_23 : i32
    %mul3A_25 = arith.constant 100096 : i32
    %mul3A_26 = arith.muli %add3A_24, %mul3A_25 : i32
    %mul3A_27 = arith.constant 12512 : i32
    %mul3A_28 = arith.muli %arg1, %mul3A_27 : i32
    %add3A_29 = arith.addi %mul3A_26, %mul3A_28 : i32
    %multiple_of3A_30 = tpu.assume_multiple %add3A_29, 8 : i32
    %dma_start3A_31 = arith.constant 0 : i32
    %dma_start3A_32 = tpu.memref_slice %arg13[%dma_start3A_31] : memref<524288xf32, #tpu.memory_space<vmem_shared>> -> memref<524288xf32, #tpu.memory_space<vmem_shared>>
    tpu.enqueue_indirect_dma source(%dma_start3A_32 : memref<524288xf32, #tpu.memory_space<vmem_shared>>) target(%arg11 : memref<12512xf32, #tpu.memory_space<vmem>>) offsets(%arg7 : memref<12512xi32, #tpu.memory_space<vmem>>) semaphore(%arg15 : memref<!tpu.dma_semaphore, #tpu.memory_space<semaphore_mem>>)
    %dma_start3A_33 = arith.constant 0 : i32
    %dma_start3A_34 = tpu.memref_slice %arg13[%dma_start3A_33] : memref<524288xf32, #tpu.memory_space<vmem_shared>> -> memref<524288xf32, #tpu.memory_space<vmem_shared>>
    tpu.enqueue_indirect_dma source(%dma_start3A_34 : memref<524288xf32, #tpu.memory_space<vmem_shared>>) target(%arg12 : memref<12512xf32, #tpu.memory_space<vmem>>) offsets(%arg8 : memref<12512xi32, #tpu.memory_space<vmem>>) semaphore(%arg16 : memref<!tpu.dma_semaphore, #tpu.memory_space<semaphore_mem>>)
    %mul3A_35 = arith.constant 4 : i32
    %mul3A_36 = arith.muli %mul3A_35, %arg0 : i32
    %add3A_37 = arith.constant 2 : i32
    %add3A_38 = arith.addi %mul3A_36, %add3A_37 : i32
    %mul3A_39 = arith.constant 100096 : i32
    %mul3A_40 = arith.muli %add3A_38, %mul3A_39 : i32
    %mul3A_41 = arith.constant 12512 : i32
    %mul3A_42 = arith.muli %arg1, %mul3A_41 : i32
    %add3A_43 = arith.addi %mul3A_40, %mul3A_42 : i32
    %multiple_of3A_44 = tpu.assume_multiple %add3A_43, 8 : i32
    "tpu.region"() ({
      %run_scoped3A = tpu.sem_alloc : memref<!tpu.dma_semaphore, #tpu.memory_space<semaphore_mem>>
      %dma_start3A_85 = tpu.memref_slice %arg3[%multiple_of3A_44] : memref<800768xi32, #tpu.memory_space<hbm>> -> memref<12512xi32, #tpu.memory_space<hbm>>
      %dma_start3A_86 = tpu.memref_slice %arg3[%multiple_of3A_44] : memref<800768xi32, #tpu.memory_space<hbm>> -> memref<12512xi32, #tpu.memory_space<hbm>>
      tpu.enqueue_dma source(%dma_start3A_86 : memref<12512xi32, #tpu.memory_space<hbm>>) target(%arg9 : memref<12512xi32, #tpu.memory_space<vmem>>) target_semaphore(%run_scoped3A : memref<!tpu.dma_semaphore, #tpu.memory_space<semaphore_mem>>)
      %dma_wait3A_87 = tpu.memref_slice %arg3[%multiple_of3A_44] : memref<800768xi32, #tpu.memory_space<hbm>> -> memref<12512xi32, #tpu.memory_space<hbm>>
      %dma_wait3A_88 = tpu.memref_slice %arg3[%multiple_of3A_44] : memref<800768xi32, #tpu.memory_space<hbm>> -> memref<12512xi32, #tpu.memory_space<hbm>>
      tpu.wait_dma2 semaphore(%run_scoped3A : memref<!tpu.dma_semaphore, #tpu.memory_space<semaphore_mem>>) src(%dma_wait3A_88 : memref<12512xi32, #tpu.memory_space<hbm>>) dst(%arg9 : memref<12512xi32, #tpu.memory_space<vmem>>)
      tpu.yield
    }) : () -> ()
    "tpu.region"() ({
      %run_scoped3A = tpu.sem_alloc : memref<!tpu.dma_semaphore, #tpu.memory_space<semaphore_mem>>
      %dma_start3A_85 = tpu.memref_slice %arg4[%multiple_of3A_44] : memref<800768xi32, #tpu.memory_space<hbm>> -> memref<12512xi32, #tpu.memory_space<hbm>>
      %dma_start3A_86 = tpu.memref_slice %arg4[%multiple_of3A_44] : memref<800768xi32, #tpu.memory_space<hbm>> -> memref<12512xi32, #tpu.memory_space<hbm>>
      tpu.enqueue_dma source(%dma_start3A_86 : memref<12512xi32, #tpu.memory_space<hbm>>) target(%arg10 : memref<12512xi32, #tpu.memory_space<vmem>>) target_semaphore(%run_scoped3A : memref<!tpu.dma_semaphore, #tpu.memory_space<semaphore_mem>>)
      %dma_wait3A_87 = tpu.memref_slice %arg4[%multiple_of3A_44] : memref<800768xi32, #tpu.memory_space<hbm>> -> memref<12512xi32, #tpu.memory_space<hbm>>
      %dma_wait3A_88 = tpu.memref_slice %arg4[%multiple_of3A_44] : memref<800768xi32, #tpu.memory_space<hbm>> -> memref<12512xi32, #tpu.memory_space<hbm>>
      tpu.wait_dma2 semaphore(%run_scoped3A : memref<!tpu.dma_semaphore, #tpu.memory_space<semaphore_mem>>) src(%dma_wait3A_88 : memref<12512xi32, #tpu.memory_space<hbm>>) dst(%arg10 : memref<12512xi32, #tpu.memory_space<vmem>>)
      tpu.yield
    }) : () -> ()
    %dma_wait3A_45 = arith.constant 0 : i32
    %dma_wait3A_46 = tpu.memref_slice %arg13[%dma_wait3A_45] : memref<524288xf32, #tpu.memory_space<vmem_shared>> -> memref<524288xf32, #tpu.memory_space<vmem_shared>>
    tpu.wait_indirect_dma semaphore(%arg15 : memref<!tpu.dma_semaphore, #tpu.memory_space<semaphore_mem>>) src(%dma_wait3A_46 : memref<524288xf32, #tpu.memory_space<vmem_shared>>) dst(%arg11 : memref<12512xf32, #tpu.memory_space<vmem>>)
    "tpu.region"() ({
      %run_scoped3A = tpu.sem_alloc : memref<!tpu.dma_semaphore, #tpu.memory_space<semaphore_mem>>
      %dma_start3A_85 = tpu.memref_slice %arg5[%multiple_of3A_30] : memref<800768xf32, #tpu.memory_space<hbm>> -> memref<12512xf32, #tpu.memory_space<hbm>>
      %dma_start3A_86 = tpu.memref_slice %arg5[%multiple_of3A_30] : memref<800768xf32, #tpu.memory_space<hbm>> -> memref<12512xf32, #tpu.memory_space<hbm>>
      tpu.enqueue_dma source(%arg11 : memref<12512xf32, #tpu.memory_space<vmem>>) target(%dma_start3A_86 : memref<12512xf32, #tpu.memory_space<hbm>>) target_semaphore(%run_scoped3A : memref<!tpu.dma_semaphore, #tpu.memory_space<semaphore_mem>>)
      %dma_wait3A_87 = tpu.memref_slice %arg5[%multiple_of3A_30] : memref<800768xf32, #tpu.memory_space<hbm>> -> memref<12512xf32, #tpu.memory_space<hbm>>
      %dma_wait3A_88 = tpu.memref_slice %arg5[%multiple_of3A_30] : memref<800768xf32, #tpu.memory_space<hbm>> -> memref<12512xf32, #tpu.memory_space<hbm>>
      tpu.wait_dma2 semaphore(%run_scoped3A : memref<!tpu.dma_semaphore, #tpu.memory_space<semaphore_mem>>) src(%arg11 : memref<12512xf32, #tpu.memory_space<vmem>>) dst(%dma_wait3A_88 : memref<12512xf32, #tpu.memory_space<hbm>>)
      tpu.yield
    }) : () -> ()
    %dma_wait3A_47 = arith.constant 0 : i32
    %dma_wait3A_48 = tpu.memref_slice %arg13[%dma_wait3A_47] : memref<524288xf32, #tpu.memory_space<vmem_shared>> -> memref<524288xf32, #tpu.memory_space<vmem_shared>>
    tpu.wait_indirect_dma semaphore(%arg16 : memref<!tpu.dma_semaphore, #tpu.memory_space<semaphore_mem>>) src(%dma_wait3A_48 : memref<524288xf32, #tpu.memory_space<vmem_shared>>) dst(%arg12 : memref<12512xf32, #tpu.memory_space<vmem>>)
    "tpu.region"() ({
      %run_scoped3A = tpu.sem_alloc : memref<!tpu.dma_semaphore, #tpu.memory_space<semaphore_mem>>
      %dma_start3A_85 = tpu.memref_slice %arg6[%multiple_of3A_30] : memref<800768xf32, #tpu.memory_space<hbm>> -> memref<12512xf32, #tpu.memory_space<hbm>>
      %dma_start3A_86 = tpu.memref_slice %arg6[%multiple_of3A_30] : memref<800768xf32, #tpu.memory_space<hbm>> -> memref<12512xf32, #tpu.memory_space<hbm>>
      tpu.enqueue_dma source(%arg12 : memref<12512xf32, #tpu.memory_space<vmem>>) target(%dma_start3A_86 : memref<12512xf32, #tpu.memory_space<hbm>>) target_semaphore(%run_scoped3A : memref<!tpu.dma_semaphore, #tpu.memory_space<semaphore_mem>>)
      %dma_wait3A_87 = tpu.memref_slice %arg6[%multiple_of3A_30] : memref<800768xf32, #tpu.memory_space<hbm>> -> memref<12512xf32, #tpu.memory_space<hbm>>
      %dma_wait3A_88 = tpu.memref_slice %arg6[%multiple_of3A_30] : memref<800768xf32, #tpu.memory_space<hbm>> -> memref<12512xf32, #tpu.memory_space<hbm>>
      tpu.wait_dma2 semaphore(%run_scoped3A : memref<!tpu.dma_semaphore, #tpu.memory_space<semaphore_mem>>) src(%arg12 : memref<12512xf32, #tpu.memory_space<vmem>>) dst(%dma_wait3A_88 : memref<12512xf32, #tpu.memory_space<hbm>>)
      tpu.yield
    }) : () -> ()
    %barrier3A_49 = arith.constant 0 : index
    tpu.barrier barrier_id(%barrier3A_49)
    %mul3A_50 = arith.constant 4 : i32
    %mul3A_51 = arith.muli %mul3A_50, %arg0 : i32
    %add3A_52 = arith.constant 2 : i32
    %add3A_53 = arith.addi %mul3A_51, %add3A_52 : i32
    %mul3A_54 = arith.constant 262144 : i32
    %mul3A_55 = arith.muli %add3A_53, %mul3A_54 : i32
    %mul3A_56 = arith.constant 32768 : i32
    %mul3A_57 = arith.muli %arg1, %mul3A_56 : i32
    %add3A_58 = arith.addi %mul3A_55, %mul3A_57 : i32
    %multiple_of3A_59 = tpu.assume_multiple %add3A_58, 8 : i32
    %mul3A_60 = arith.constant 32768 : i32
    %mul3A_61 = arith.muli %arg1, %mul3A_60 : i32
    %dma_start3A_62 = tpu.memref_slice %arg13[%mul3A_61] : memref<524288xf32, #tpu.memory_space<vmem_shared>> -> memref<32768xf32, #tpu.memory_space<vmem_shared>>
    %dma_start3A_63 = tpu.memref_slice %arg2[%multiple_of3A_59] : memref<2097152xf32, #tpu.memory_space<hbm>> -> memref<32768xf32, #tpu.memory_space<hbm>>
    tpu.enqueue_dma source(%dma_start3A_63 : memref<32768xf32, #tpu.memory_space<hbm>>) target(%dma_start3A_62 : memref<32768xf32, #tpu.memory_space<vmem_shared>>) target_semaphore(%arg14 : memref<!tpu.dma_semaphore, #tpu.memory_space<semaphore_mem>>)
    %dma_wait3A_64 = tpu.memref_slice %arg13[%mul3A_61] : memref<524288xf32, #tpu.memory_space<vmem_shared>> -> memref<32768xf32, #tpu.memory_space<vmem_shared>>
    %dma_wait3A_65 = tpu.memref_slice %arg2[%multiple_of3A_59] : memref<2097152xf32, #tpu.memory_space<hbm>> -> memref<32768xf32, #tpu.memory_space<hbm>>
    tpu.wait_dma2 semaphore(%arg14 : memref<!tpu.dma_semaphore, #tpu.memory_space<semaphore_mem>>) src(%dma_wait3A_65 : memref<32768xf32, #tpu.memory_space<hbm>>) dst(%dma_wait3A_64 : memref<32768xf32, #tpu.memory_space<vmem_shared>>)
    %barrier3A_66 = arith.constant 0 : index
    tpu.barrier barrier_id(%barrier3A_66)
    %mul3A_67 = arith.constant 4 : i32
    %mul3A_68 = arith.muli %mul3A_67, %arg0 : i32
    %add3A_69 = arith.constant 2 : i32
    %add3A_70 = arith.addi %mul3A_68, %add3A_69 : i32
    %mul3A_71 = arith.constant 100096 : i32
    %mul3A_72 = arith.muli %add3A_70, %mul3A_71 : i32
    %mul3A_73 = arith.constant 12512 : i32
    %mul3A_74 = arith.muli %arg1, %mul3A_73 : i32
    %add3A_75 = arith.addi %mul3A_72, %mul3A_74 : i32
    %multiple_of3A_76 = tpu.assume_multiple %add3A_75, 8 : i32
    %dma_start3A_77 = arith.constant 0 : i32
    %dma_start3A_78 = tpu.memref_slice %arg13[%dma_start3A_77] : memref<524288xf32, #tpu.memory_space<vmem_shared>> -> memref<524288xf32, #tpu.memory_space<vmem_shared>>
    tpu.enqueue_indirect_dma source(%dma_start3A_78 : memref<524288xf32, #tpu.memory_space<vmem_shared>>) target(%arg11 : memref<12512xf32, #tpu.memory_space<vmem>>) offsets(%arg9 : memref<12512xi32, #tpu.memory_space<vmem>>) semaphore(%arg15 : memref<!tpu.dma_semaphore, #tpu.memory_space<semaphore_mem>>)
    %dma_start3A_79 = arith.constant 0 : i32
    %dma_start3A_80 = tpu.memref_slice %arg13[%dma_start3A_79] : memref<524288xf32, #tpu.memory_space<vmem_shared>> -> memref<524288xf32, #tpu.memory_space<vmem_shared>>
    tpu.enqueue_indirect_dma source(%dma_start3A_80 : memref<524288xf32, #tpu.memory_space<vmem_shared>>) target(%arg12 : memref<12512xf32, #tpu.memory_space<vmem>>) offsets(%arg10 : memref<12512xi32, #tpu.memory_space<vmem>>) semaphore(%arg16 : memref<!tpu.dma_semaphore, #tpu.memory_space<semaphore_mem>>)
    %dma_wait3A_81 = arith.constant 0 : i32
    %dma_wait3A_82 = tpu.memref_slice %arg13[%dma_wait3A_81] : memref<524288xf32, #tpu.memory_space<vmem_shared>> -> memref<524288xf32, #tpu.memory_space<vmem_shared>>
    tpu.wait_indirect_dma semaphore(%arg15 : memref<!tpu.dma_semaphore, #tpu.memory_space<semaphore_mem>>) src(%dma_wait3A_82 : memref<524288xf32, #tpu.memory_space<vmem_shared>>) dst(%arg11 : memref<12512xf32, #tpu.memory_space<vmem>>)
    "tpu.region"() ({
      %run_scoped3A = tpu.sem_alloc : memref<!tpu.dma_semaphore, #tpu.memory_space<semaphore_mem>>
      %dma_start3A_85 = tpu.memref_slice %arg5[%multiple_of3A_76] : memref<800768xf32, #tpu.memory_space<hbm>> -> memref<12512xf32, #tpu.memory_space<hbm>>
      %dma_start3A_86 = tpu.memref_slice %arg5[%multiple_of3A_76] : memref<800768xf32, #tpu.memory_space<hbm>> -> memref<12512xf32, #tpu.memory_space<hbm>>
      tpu.enqueue_dma source(%arg11 : memref<12512xf32, #tpu.memory_space<vmem>>) target(%dma_start3A_86 : memref<12512xf32, #tpu.memory_space<hbm>>) target_semaphore(%run_scoped3A : memref<!tpu.dma_semaphore, #tpu.memory_space<semaphore_mem>>)
      %dma_wait3A_87 = tpu.memref_slice %arg5[%multiple_of3A_76] : memref<800768xf32, #tpu.memory_space<hbm>> -> memref<12512xf32, #tpu.memory_space<hbm>>
      %dma_wait3A_88 = tpu.memref_slice %arg5[%multiple_of3A_76] : memref<800768xf32, #tpu.memory_space<hbm>> -> memref<12512xf32, #tpu.memory_space<hbm>>
      tpu.wait_dma2 semaphore(%run_scoped3A : memref<!tpu.dma_semaphore, #tpu.memory_space<semaphore_mem>>) src(%arg11 : memref<12512xf32, #tpu.memory_space<vmem>>) dst(%dma_wait3A_88 : memref<12512xf32, #tpu.memory_space<hbm>>)
      tpu.yield
    }) : () -> ()
    %dma_wait3A_83 = arith.constant 0 : i32
    %dma_wait3A_84 = tpu.memref_slice %arg13[%dma_wait3A_83] : memref<524288xf32, #tpu.memory_space<vmem_shared>> -> memref<524288xf32, #tpu.memory_space<vmem_shared>>
    tpu.wait_indirect_dma semaphore(%arg16 : memref<!tpu.dma_semaphore, #tpu.memory_space<semaphore_mem>>) src(%dma_wait3A_84 : memref<524288xf32, #tpu.memory_space<vmem_shared>>) dst(%arg12 : memref<12512xf32, #tpu.memory_space<vmem>>)
    "tpu.region"() ({
      %run_scoped3A = tpu.sem_alloc : memref<!tpu.dma_semaphore, #tpu.memory_space<semaphore_mem>>
      %dma_start3A_85 = tpu.memref_slice %arg6[%multiple_of3A_76] : memref<800768xf32, #tpu.memory_space<hbm>> -> memref<12512xf32, #tpu.memory_space<hbm>>
      %dma_start3A_86 = tpu.memref_slice %arg6[%multiple_of3A_76] : memref<800768xf32, #tpu.memory_space<hbm>> -> memref<12512xf32, #tpu.memory_space<hbm>>
      tpu.enqueue_dma source(%arg12 : memref<12512xf32, #tpu.memory_space<vmem>>) target(%dma_start3A_86 : memref<12512xf32, #tpu.memory_space<hbm>>) target_semaphore(%run_scoped3A : memref<!tpu.dma_semaphore, #tpu.memory_space<semaphore_mem>>)
      %dma_wait3A_87 = tpu.memref_slice %arg6[%multiple_of3A_76] : memref<800768xf32, #tpu.memory_space<hbm>> -> memref<12512xf32, #tpu.memory_space<hbm>>
      %dma_wait3A_88 = tpu.memref_slice %arg6[%multiple_of3A_76] : memref<800768xf32, #tpu.memory_space<hbm>> -> memref<12512xf32, #tpu.memory_space<hbm>>
      tpu.wait_dma2 semaphore(%run_scoped3A : memref<!tpu.dma_semaphore, #tpu.memory_space<semaphore_mem>>) src(%arg12 : memref<12512xf32, #tpu.memory_space<vmem>>) dst(%dma_wait3A_88 : memref<12512xf32, #tpu.memory_space<hbm>>)
      tpu.yield
    }) : () -> ()
    return
  }
}

module attributes {stable_mosaic.version = 14 : i64} {
  func.func @_idx_body(%arg0: i32, %arg1: memref<8x99968xi32, #tpu.memory_space<vmem>>, %arg2: memref<8x128xi32, #tpu.memory_space<vmem>>, %arg3: memref<8x99968xi32, #tpu.memory_space<vmem>>, %arg4: memref<8x128xi32, #tpu.memory_space<vmem>>, %arg5: memref<8x99968xi32, #tpu.memory_space<vmem>>, %arg6: memref<8x128xi32, #tpu.memory_space<vmem>>, %arg7: memref<8x99968xi32, #tpu.memory_space<vmem>>, %arg8: memref<8x128xi32, #tpu.memory_space<vmem>>, %arg9: memref<8x99968xf32, #tpu.memory_space<vmem>>, %arg10: memref<8x128xf32, #tpu.memory_space<vmem>>, %arg11: memref<800768xi32, #tpu.memory_space<vmem>>, %arg12: memref<800768xi32, #tpu.memory_space<vmem>>, %arg13: memref<800768xf32, #tpu.memory_space<vmem>>) attributes {dimension_semantics = [#tpu.dimension_semantics<arbitrary>], iteration_bounds = array<i64: 1>, scalar_prefetch = 0 : i64, scratch_operands = 0 : i64, tpu.core_type = #tpu.core_type<tc>, window_params = [{transform_indices = @transform_0, window_bounds = array<i64: 8, 99968>}, {transform_indices = @transform_1, window_bounds = array<i64: 8, 128>}, {transform_indices = @transform_2, window_bounds = array<i64: 8, 99968>}, {transform_indices = @transform_3, window_bounds = array<i64: 8, 128>}, {transform_indices = @transform_4, window_bounds = array<i64: 8, 99968>}, {transform_indices = @transform_5, window_bounds = array<i64: 8, 128>}, {transform_indices = @transform_6, window_bounds = array<i64: 8, 99968>}, {transform_indices = @transform_7, window_bounds = array<i64: 8, 128>}, {transform_indices = @transform_8, window_bounds = array<i64: 8, 99968>}, {transform_indices = @transform_9, window_bounds = array<i64: 8, 128>}, {pipeline_mode = #tpu.pipeline_mode<synchronous>, transform_indices = @transform_10, window_bounds = array<i64: 800768>}, {pipeline_mode = #tpu.pipeline_mode<synchronous>, transform_indices = @transform_11, window_bounds = array<i64: 800768>}, {pipeline_mode = #tpu.pipeline_mode<synchronous>, transform_indices = @transform_12, window_bounds = array<i64: 800768>}]} {
    %iota3A = tpu.iota {dimensions = array<i32: 1>} : vector<1x128xi32>
    %reshape3A = vector.shape_cast %iota3A : vector<1x128xi32> to vector<128xi32>
    %lt3A = arith.constant 32 : i32
    %lt3A_0 = vector.broadcast %lt3A : i32 to vector<128xi32>
    %lt3A_1 = arith.cmpi slt, %reshape3A, %lt3A_0 : vector<128xi32>
    %get3A = arith.constant 0 : index
    %get3A_2 = arith.constant 0 : index
    %get3A_3 = vector.load %arg3[%get3A, %get3A_2] : memref<8x99968xi32, #tpu.memory_space<vmem>>, vector<8x99968xi32>
    %mul3A = arith.constant 512 : i32
    %mul3A_4 = vector.broadcast %mul3A : i32 to vector<8x99968xi32>
    %mul3A_5 = arith.muli %get3A_3, %mul3A_4 : vector<8x99968xi32>
    %get3A_6 = arith.constant 0 : index
    %get3A_7 = arith.constant 0 : index
    %get3A_8 = vector.load %arg1[%get3A_6, %get3A_7] : memref<8x99968xi32, #tpu.memory_space<vmem>>, vector<8x99968xi32>
    %add3A = arith.addi %mul3A_5, %get3A_8 : vector<8x99968xi32>
    %get3A_9 = arith.constant 0 : index
    %get3A_10 = arith.constant 0 : index
    %get3A_11 = vector.load %arg4[%get3A_9, %get3A_10] : memref<8x128xi32, #tpu.memory_space<vmem>>, vector<8x128xi32>
    %mul3A_12 = arith.constant 512 : i32
    %mul3A_13 = vector.broadcast %mul3A_12 : i32 to vector<8x128xi32>
    %mul3A_14 = arith.muli %get3A_11, %mul3A_13 : vector<8x128xi32>
    %get3A_15 = arith.constant 0 : index
    %get3A_16 = arith.constant 0 : index
    %get3A_17 = vector.load %arg2[%get3A_15, %get3A_16] : memref<8x128xi32, #tpu.memory_space<vmem>>, vector<8x128xi32>
    %add3A_18 = arith.addi %mul3A_14, %get3A_17 : vector<8x128xi32>
    %slice3A = vector.extract_strided_slice %add3A {offsets = [0, 0], sizes = [1, 99968], strides = [1, 1]} : vector<8x99968xi32> to vector<1x99968xi32>
    %add3A_19 = arith.constant 0 : i32
    %add3A_20 = vector.broadcast %add3A_19 : i32 to vector<1x99968xi32>
    %add3A_21 = arith.addi %slice3A, %add3A_20 : vector<1x99968xi32>
    %reshape3A_22 = vector.shape_cast %add3A_21 : vector<1x99968xi32> to vector<99968xi32>
    %slice3A_23 = vector.extract_strided_slice %add3A_18 {offsets = [0, 0], sizes = [1, 128], strides = [1, 1]} : vector<8x128xi32> to vector<1x128xi32>
    %reshape3A_24 = vector.shape_cast %slice3A_23 : vector<1x128xi32> to vector<128xi32>
    %add3A_25 = arith.constant 0 : i32
    %add3A_26 = vector.broadcast %add3A_25 : i32 to vector<128xi32>
    %add3A_27 = arith.addi %reshape3A_24, %add3A_26 : vector<128xi32>
    %jit3A = arith.constant 0 : i32
    %broadcast_in_dim3A = vector.broadcast %jit3A : i32 to vector<128xi32>
    %select_n3A = arith.select %lt3A_1, %add3A_27, %broadcast_in_dim3A : vector<128xi1>, vector<128xi32>
    %slice3A_28 = vector.extract_strided_slice %add3A {offsets = [1, 0], sizes = [1, 99968], strides = [1, 1]} : vector<8x99968xi32> to vector<1x99968xi32>
    %add3A_29 = arith.constant 262144 : i32
    %add3A_30 = vector.broadcast %add3A_29 : i32 to vector<1x99968xi32>
    %add3A_31 = arith.addi %slice3A_28, %add3A_30 : vector<1x99968xi32>
    %reshape3A_32 = vector.shape_cast %add3A_31 : vector<1x99968xi32> to vector<99968xi32>
    %slice3A_33 = vector.extract_strided_slice %add3A_18 {offsets = [1, 0], sizes = [1, 128], strides = [1, 1]} : vector<8x128xi32> to vector<1x128xi32>
    %reshape3A_34 = vector.shape_cast %slice3A_33 : vector<1x128xi32> to vector<128xi32>
    %add3A_35 = arith.constant 262144 : i32
    %add3A_36 = vector.broadcast %add3A_35 : i32 to vector<128xi32>
    %add3A_37 = arith.addi %reshape3A_34, %add3A_36 : vector<128xi32>
    %jit3A_38 = arith.constant 0 : i32
    %broadcast_in_dim3A_39 = vector.broadcast %jit3A_38 : i32 to vector<128xi32>
    %select_n3A_40 = arith.select %lt3A_1, %add3A_37, %broadcast_in_dim3A_39 : vector<128xi1>, vector<128xi32>
    %slice3A_41 = vector.extract_strided_slice %add3A {offsets = [2, 0], sizes = [1, 99968], strides = [1, 1]} : vector<8x99968xi32> to vector<1x99968xi32>
    %add3A_42 = arith.constant 0 : i32
    %add3A_43 = vector.broadcast %add3A_42 : i32 to vector<1x99968xi32>
    %add3A_44 = arith.addi %slice3A_41, %add3A_43 : vector<1x99968xi32>
    %reshape3A_45 = vector.shape_cast %add3A_44 : vector<1x99968xi32> to vector<99968xi32>
    %slice3A_46 = vector.extract_strided_slice %add3A_18 {offsets = [2, 0], sizes = [1, 128], strides = [1, 1]} : vector<8x128xi32> to vector<1x128xi32>
    %reshape3A_47 = vector.shape_cast %slice3A_46 : vector<1x128xi32> to vector<128xi32>
    %add3A_48 = arith.constant 0 : i32
    %add3A_49 = vector.broadcast %add3A_48 : i32 to vector<128xi32>
    %add3A_50 = arith.addi %reshape3A_47, %add3A_49 : vector<128xi32>
    %jit3A_51 = arith.constant 0 : i32
    %broadcast_in_dim3A_52 = vector.broadcast %jit3A_51 : i32 to vector<128xi32>
    %select_n3A_53 = arith.select %lt3A_1, %add3A_50, %broadcast_in_dim3A_52 : vector<128xi1>, vector<128xi32>
    %slice3A_54 = vector.extract_strided_slice %add3A {offsets = [3, 0], sizes = [1, 99968], strides = [1, 1]} : vector<8x99968xi32> to vector<1x99968xi32>
    %add3A_55 = arith.constant 262144 : i32
    %add3A_56 = vector.broadcast %add3A_55 : i32 to vector<1x99968xi32>
    %add3A_57 = arith.addi %slice3A_54, %add3A_56 : vector<1x99968xi32>
    %reshape3A_58 = vector.shape_cast %add3A_57 : vector<1x99968xi32> to vector<99968xi32>
    %slice3A_59 = vector.extract_strided_slice %add3A_18 {offsets = [3, 0], sizes = [1, 128], strides = [1, 1]} : vector<8x128xi32> to vector<1x128xi32>
    %reshape3A_60 = vector.shape_cast %slice3A_59 : vector<1x128xi32> to vector<128xi32>
    %add3A_61 = arith.constant 262144 : i32
    %add3A_62 = vector.broadcast %add3A_61 : i32 to vector<128xi32>
    %add3A_63 = arith.addi %reshape3A_60, %add3A_62 : vector<128xi32>
    %jit3A_64 = arith.constant 0 : i32
    %broadcast_in_dim3A_65 = vector.broadcast %jit3A_64 : i32 to vector<128xi32>
    %select_n3A_66 = arith.select %lt3A_1, %add3A_63, %broadcast_in_dim3A_65 : vector<128xi1>, vector<128xi32>
    %slice3A_67 = vector.extract_strided_slice %add3A {offsets = [4, 0], sizes = [1, 99968], strides = [1, 1]} : vector<8x99968xi32> to vector<1x99968xi32>
    %add3A_68 = arith.constant 0 : i32
    %add3A_69 = vector.broadcast %add3A_68 : i32 to vector<1x99968xi32>
    %add3A_70 = arith.addi %slice3A_67, %add3A_69 : vector<1x99968xi32>
    %reshape3A_71 = vector.shape_cast %add3A_70 : vector<1x99968xi32> to vector<99968xi32>
    %slice3A_72 = vector.extract_strided_slice %add3A_18 {offsets = [4, 0], sizes = [1, 128], strides = [1, 1]} : vector<8x128xi32> to vector<1x128xi32>
    %reshape3A_73 = vector.shape_cast %slice3A_72 : vector<1x128xi32> to vector<128xi32>
    %add3A_74 = arith.constant 0 : i32
    %add3A_75 = vector.broadcast %add3A_74 : i32 to vector<128xi32>
    %add3A_76 = arith.addi %reshape3A_73, %add3A_75 : vector<128xi32>
    %jit3A_77 = arith.constant 0 : i32
    %broadcast_in_dim3A_78 = vector.broadcast %jit3A_77 : i32 to vector<128xi32>
    %select_n3A_79 = arith.select %lt3A_1, %add3A_76, %broadcast_in_dim3A_78 : vector<128xi1>, vector<128xi32>
    %slice3A_80 = vector.extract_strided_slice %add3A {offsets = [5, 0], sizes = [1, 99968], strides = [1, 1]} : vector<8x99968xi32> to vector<1x99968xi32>
    %add3A_81 = arith.constant 262144 : i32
    %add3A_82 = vector.broadcast %add3A_81 : i32 to vector<1x99968xi32>
    %add3A_83 = arith.addi %slice3A_80, %add3A_82 : vector<1x99968xi32>
    %reshape3A_84 = vector.shape_cast %add3A_83 : vector<1x99968xi32> to vector<99968xi32>
    %slice3A_85 = vector.extract_strided_slice %add3A_18 {offsets = [5, 0], sizes = [1, 128], strides = [1, 1]} : vector<8x128xi32> to vector<1x128xi32>
    %reshape3A_86 = vector.shape_cast %slice3A_85 : vector<1x128xi32> to vector<128xi32>
    %add3A_87 = arith.constant 262144 : i32
    %add3A_88 = vector.broadcast %add3A_87 : i32 to vector<128xi32>
    %add3A_89 = arith.addi %reshape3A_86, %add3A_88 : vector<128xi32>
    %jit3A_90 = arith.constant 0 : i32
    %broadcast_in_dim3A_91 = vector.broadcast %jit3A_90 : i32 to vector<128xi32>
    %select_n3A_92 = arith.select %lt3A_1, %add3A_89, %broadcast_in_dim3A_91 : vector<128xi1>, vector<128xi32>
    %slice3A_93 = vector.extract_strided_slice %add3A {offsets = [6, 0], sizes = [1, 99968], strides = [1, 1]} : vector<8x99968xi32> to vector<1x99968xi32>
    %add3A_94 = arith.constant 0 : i32
    %add3A_95 = vector.broadcast %add3A_94 : i32 to vector<1x99968xi32>
    %add3A_96 = arith.addi %slice3A_93, %add3A_95 : vector<1x99968xi32>
    %reshape3A_97 = vector.shape_cast %add3A_96 : vector<1x99968xi32> to vector<99968xi32>
    %slice3A_98 = vector.extract_strided_slice %add3A_18 {offsets = [6, 0], sizes = [1, 128], strides = [1, 1]} : vector<8x128xi32> to vector<1x128xi32>
    %reshape3A_99 = vector.shape_cast %slice3A_98 : vector<1x128xi32> to vector<128xi32>
    %add3A_100 = arith.constant 0 : i32
    %add3A_101 = vector.broadcast %add3A_100 : i32 to vector<128xi32>
    %add3A_102 = arith.addi %reshape3A_99, %add3A_101 : vector<128xi32>
    %jit3A_103 = arith.constant 0 : i32
    %broadcast_in_dim3A_104 = vector.broadcast %jit3A_103 : i32 to vector<128xi32>
    %select_n3A_105 = arith.select %lt3A_1, %add3A_102, %broadcast_in_dim3A_104 : vector<128xi1>, vector<128xi32>
    %slice3A_106 = vector.extract_strided_slice %add3A {offsets = [7, 0], sizes = [1, 99968], strides = [1, 1]} : vector<8x99968xi32> to vector<1x99968xi32>
    %add3A_107 = arith.constant 262144 : i32
    %add3A_108 = vector.broadcast %add3A_107 : i32 to vector<1x99968xi32>
    %add3A_109 = arith.addi %slice3A_106, %add3A_108 : vector<1x99968xi32>
    %reshape3A_110 = vector.shape_cast %add3A_109 : vector<1x99968xi32> to vector<99968xi32>
    %slice3A_111 = vector.extract_strided_slice %add3A_18 {offsets = [7, 0], sizes = [1, 128], strides = [1, 1]} : vector<8x128xi32> to vector<1x128xi32>
    %reshape3A_112 = vector.shape_cast %slice3A_111 : vector<1x128xi32> to vector<128xi32>
    %add3A_113 = arith.constant 262144 : i32
    %add3A_114 = vector.broadcast %add3A_113 : i32 to vector<128xi32>
    %add3A_115 = arith.addi %reshape3A_112, %add3A_114 : vector<128xi32>
    %jit3A_116 = arith.constant 0 : i32
    %broadcast_in_dim3A_117 = vector.broadcast %jit3A_116 : i32 to vector<128xi32>
    %select_n3A_118 = arith.select %lt3A_1, %add3A_115, %broadcast_in_dim3A_117 : vector<128xi1>, vector<128xi32>
    %concatenate3A = tpu.concatenate %reshape3A_22, %select_n3A, %reshape3A_32, %select_n3A_40, %reshape3A_45, %select_n3A_53, %reshape3A_58, %select_n3A_66, %reshape3A_71, %select_n3A_79, %reshape3A_84, %select_n3A_92, %reshape3A_97, %select_n3A_105, %reshape3A_110, %select_n3A_118 in 0 : vector<99968xi32>, vector<128xi32>, vector<99968xi32>, vector<128xi32>, vector<99968xi32>, vector<128xi32>, vector<99968xi32>, vector<128xi32>, vector<99968xi32>, vector<128xi32>, vector<99968xi32>, vector<128xi32>, vector<99968xi32>, vector<128xi32>, vector<99968xi32>, vector<128xi32> -> vector<800768xi32>
    %swap3A = arith.constant 0 : index
    %swap3A_119 = vector.load %arg11[%swap3A] : memref<800768xi32, #tpu.memory_space<vmem>>, vector<800768xi32>
    tpu.vector_store %arg11[%swap3A], %concatenate3A {strides = array<i32>} : memref<800768xi32, #tpu.memory_space<vmem>>, vector<800768xi32>,
    %get3A_120 = arith.constant 0 : index
    %get3A_121 = arith.constant 0 : index
    %get3A_122 = vector.load %arg7[%get3A_120, %get3A_121] : memref<8x99968xi32, #tpu.memory_space<vmem>>, vector<8x99968xi32>
    %mul3A_123 = arith.constant 512 : i32
    %mul3A_124 = vector.broadcast %mul3A_123 : i32 to vector<8x99968xi32>
    %mul3A_125 = arith.muli %get3A_122, %mul3A_124 : vector<8x99968xi32>
    %get3A_126 = arith.constant 0 : index
    %get3A_127 = arith.constant 0 : index
    %get3A_128 = vector.load %arg5[%get3A_126, %get3A_127] : memref<8x99968xi32, #tpu.memory_space<vmem>>, vector<8x99968xi32>
    %add3A_129 = arith.addi %mul3A_125, %get3A_128 : vector<8x99968xi32>
    %get3A_130 = arith.constant 0 : index
    %get3A_131 = arith.constant 0 : index
    %get3A_132 = vector.load %arg8[%get3A_130, %get3A_131] : memref<8x128xi32, #tpu.memory_space<vmem>>, vector<8x128xi32>
    %mul3A_133 = arith.constant 512 : i32
    %mul3A_134 = vector.broadcast %mul3A_133 : i32 to vector<8x128xi32>
    %mul3A_135 = arith.muli %get3A_132, %mul3A_134 : vector<8x128xi32>
    %get3A_136 = arith.constant 0 : index
    %get3A_137 = arith.constant 0 : index
    %get3A_138 = vector.load %arg6[%get3A_136, %get3A_137] : memref<8x128xi32, #tpu.memory_space<vmem>>, vector<8x128xi32>
    %add3A_139 = arith.addi %mul3A_135, %get3A_138 : vector<8x128xi32>
    %slice3A_140 = vector.extract_strided_slice %add3A_129 {offsets = [0, 0], sizes = [1, 99968], strides = [1, 1]} : vector<8x99968xi32> to vector<1x99968xi32>
    %add3A_141 = arith.constant 0 : i32
    %add3A_142 = vector.broadcast %add3A_141 : i32 to vector<1x99968xi32>
    %add3A_143 = arith.addi %slice3A_140, %add3A_142 : vector<1x99968xi32>
    %reshape3A_144 = vector.shape_cast %add3A_143 : vector<1x99968xi32> to vector<99968xi32>
    %slice3A_145 = vector.extract_strided_slice %add3A_139 {offsets = [0, 0], sizes = [1, 128], strides = [1, 1]} : vector<8x128xi32> to vector<1x128xi32>
    %reshape3A_146 = vector.shape_cast %slice3A_145 : vector<1x128xi32> to vector<128xi32>
    %add3A_147 = arith.constant 0 : i32
    %add3A_148 = vector.broadcast %add3A_147 : i32 to vector<128xi32>
    %add3A_149 = arith.addi %reshape3A_146, %add3A_148 : vector<128xi32>
    %jit3A_150 = arith.constant 0 : i32
    %broadcast_in_dim3A_151 = vector.broadcast %jit3A_150 : i32 to vector<128xi32>
    %select_n3A_152 = arith.select %lt3A_1, %add3A_149, %broadcast_in_dim3A_151 : vector<128xi1>, vector<128xi32>
    %slice3A_153 = vector.extract_strided_slice %add3A_129 {offsets = [1, 0], sizes = [1, 99968], strides = [1, 1]} : vector<8x99968xi32> to vector<1x99968xi32>
    %add3A_154 = arith.constant 262144 : i32
    %add3A_155 = vector.broadcast %add3A_154 : i32 to vector<1x99968xi32>
    %add3A_156 = arith.addi %slice3A_153, %add3A_155 : vector<1x99968xi32>
    %reshape3A_157 = vector.shape_cast %add3A_156 : vector<1x99968xi32> to vector<99968xi32>
    %slice3A_158 = vector.extract_strided_slice %add3A_139 {offsets = [1, 0], sizes = [1, 128], strides = [1, 1]} : vector<8x128xi32> to vector<1x128xi32>
    %reshape3A_159 = vector.shape_cast %slice3A_158 : vector<1x128xi32> to vector<128xi32>
    %add3A_160 = arith.constant 262144 : i32
    %add3A_161 = vector.broadcast %add3A_160 : i32 to vector<128xi32>
    %add3A_162 = arith.addi %reshape3A_159, %add3A_161 : vector<128xi32>
    %jit3A_163 = arith.constant 0 : i32
    %broadcast_in_dim3A_164 = vector.broadcast %jit3A_163 : i32 to vector<128xi32>
    %select_n3A_165 = arith.select %lt3A_1, %add3A_162, %broadcast_in_dim3A_164 : vector<128xi1>, vector<128xi32>
    %slice3A_166 = vector.extract_strided_slice %add3A_129 {offsets = [2, 0], sizes = [1, 99968], strides = [1, 1]} : vector<8x99968xi32> to vector<1x99968xi32>
    %add3A_167 = arith.constant 0 : i32
    %add3A_168 = vector.broadcast %add3A_167 : i32 to vector<1x99968xi32>
    %add3A_169 = arith.addi %slice3A_166, %add3A_168 : vector<1x99968xi32>
    %reshape3A_170 = vector.shape_cast %add3A_169 : vector<1x99968xi32> to vector<99968xi32>
    %slice3A_171 = vector.extract_strided_slice %add3A_139 {offsets = [2, 0], sizes = [1, 128], strides = [1, 1]} : vector<8x128xi32> to vector<1x128xi32>
    %reshape3A_172 = vector.shape_cast %slice3A_171 : vector<1x128xi32> to vector<128xi32>
    %add3A_173 = arith.constant 0 : i32
    %add3A_174 = vector.broadcast %add3A_173 : i32 to vector<128xi32>
    %add3A_175 = arith.addi %reshape3A_172, %add3A_174 : vector<128xi32>
    %jit3A_176 = arith.constant 0 : i32
    %broadcast_in_dim3A_177 = vector.broadcast %jit3A_176 : i32 to vector<128xi32>
    %select_n3A_178 = arith.select %lt3A_1, %add3A_175, %broadcast_in_dim3A_177 : vector<128xi1>, vector<128xi32>
    %slice3A_179 = vector.extract_strided_slice %add3A_129 {offsets = [3, 0], sizes = [1, 99968], strides = [1, 1]} : vector<8x99968xi32> to vector<1x99968xi32>
    %add3A_180 = arith.constant 262144 : i32
    %add3A_181 = vector.broadcast %add3A_180 : i32 to vector<1x99968xi32>
    %add3A_182 = arith.addi %slice3A_179, %add3A_181 : vector<1x99968xi32>
    %reshape3A_183 = vector.shape_cast %add3A_182 : vector<1x99968xi32> to vector<99968xi32>
    %slice3A_184 = vector.extract_strided_slice %add3A_139 {offsets = [3, 0], sizes = [1, 128], strides = [1, 1]} : vector<8x128xi32> to vector<1x128xi32>
    %reshape3A_185 = vector.shape_cast %slice3A_184 : vector<1x128xi32> to vector<128xi32>
    %add3A_186 = arith.constant 262144 : i32
    %add3A_187 = vector.broadcast %add3A_186 : i32 to vector<128xi32>
    %add3A_188 = arith.addi %reshape3A_185, %add3A_187 : vector<128xi32>
    %jit3A_189 = arith.constant 0 : i32
    %broadcast_in_dim3A_190 = vector.broadcast %jit3A_189 : i32 to vector<128xi32>
    %select_n3A_191 = arith.select %lt3A_1, %add3A_188, %broadcast_in_dim3A_190 : vector<128xi1>, vector<128xi32>
    %slice3A_192 = vector.extract_strided_slice %add3A_129 {offsets = [4, 0], sizes = [1, 99968], strides = [1, 1]} : vector<8x99968xi32> to vector<1x99968xi32>
    %add3A_193 = arith.constant 0 : i32
    %add3A_194 = vector.broadcast %add3A_193 : i32 to vector<1x99968xi32>
    %add3A_195 = arith.addi %slice3A_192, %add3A_194 : vector<1x99968xi32>
    %reshape3A_196 = vector.shape_cast %add3A_195 : vector<1x99968xi32> to vector<99968xi32>
    %slice3A_197 = vector.extract_strided_slice %add3A_139 {offsets = [4, 0], sizes = [1, 128], strides = [1, 1]} : vector<8x128xi32> to vector<1x128xi32>
    %reshape3A_198 = vector.shape_cast %slice3A_197 : vector<1x128xi32> to vector<128xi32>
    %add3A_199 = arith.constant 0 : i32
    %add3A_200 = vector.broadcast %add3A_199 : i32 to vector<128xi32>
    %add3A_201 = arith.addi %reshape3A_198, %add3A_200 : vector<128xi32>
    %jit3A_202 = arith.constant 0 : i32
    %broadcast_in_dim3A_203 = vector.broadcast %jit3A_202 : i32 to vector<128xi32>
    %select_n3A_204 = arith.select %lt3A_1, %add3A_201, %broadcast_in_dim3A_203 : vector<128xi1>, vector<128xi32>
    %slice3A_205 = vector.extract_strided_slice %add3A_129 {offsets = [5, 0], sizes = [1, 99968], strides = [1, 1]} : vector<8x99968xi32> to vector<1x99968xi32>
    %add3A_206 = arith.constant 262144 : i32
    %add3A_207 = vector.broadcast %add3A_206 : i32 to vector<1x99968xi32>
    %add3A_208 = arith.addi %slice3A_205, %add3A_207 : vector<1x99968xi32>
    %reshape3A_209 = vector.shape_cast %add3A_208 : vector<1x99968xi32> to vector<99968xi32>
    %slice3A_210 = vector.extract_strided_slice %add3A_139 {offsets = [5, 0], sizes = [1, 128], strides = [1, 1]} : vector<8x128xi32> to vector<1x128xi32>
    %reshape3A_211 = vector.shape_cast %slice3A_210 : vector<1x128xi32> to vector<128xi32>
    %add3A_212 = arith.constant 262144 : i32
    %add3A_213 = vector.broadcast %add3A_212 : i32 to vector<128xi32>
    %add3A_214 = arith.addi %reshape3A_211, %add3A_213 : vector<128xi32>
    %jit3A_215 = arith.constant 0 : i32
    %broadcast_in_dim3A_216 = vector.broadcast %jit3A_215 : i32 to vector<128xi32>
    %select_n3A_217 = arith.select %lt3A_1, %add3A_214, %broadcast_in_dim3A_216 : vector<128xi1>, vector<128xi32>
    %slice3A_218 = vector.extract_strided_slice %add3A_129 {offsets = [6, 0], sizes = [1, 99968], strides = [1, 1]} : vector<8x99968xi32> to vector<1x99968xi32>
    %add3A_219 = arith.constant 0 : i32
    %add3A_220 = vector.broadcast %add3A_219 : i32 to vector<1x99968xi32>
    %add3A_221 = arith.addi %slice3A_218, %add3A_220 : vector<1x99968xi32>
    %reshape3A_222 = vector.shape_cast %add3A_221 : vector<1x99968xi32> to vector<99968xi32>
    %slice3A_223 = vector.extract_strided_slice %add3A_139 {offsets = [6, 0], sizes = [1, 128], strides = [1, 1]} : vector<8x128xi32> to vector<1x128xi32>
    %reshape3A_224 = vector.shape_cast %slice3A_223 : vector<1x128xi32> to vector<128xi32>
    %add3A_225 = arith.constant 0 : i32
    %add3A_226 = vector.broadcast %add3A_225 : i32 to vector<128xi32>
    %add3A_227 = arith.addi %reshape3A_224, %add3A_226 : vector<128xi32>
    %jit3A_228 = arith.constant 0 : i32
    %broadcast_in_dim3A_229 = vector.broadcast %jit3A_228 : i32 to vector<128xi32>
    %select_n3A_230 = arith.select %lt3A_1, %add3A_227, %broadcast_in_dim3A_229 : vector<128xi1>, vector<128xi32>
    %slice3A_231 = vector.extract_strided_slice %add3A_129 {offsets = [7, 0], sizes = [1, 99968], strides = [1, 1]} : vector<8x99968xi32> to vector<1x99968xi32>
    %add3A_232 = arith.constant 262144 : i32
    %add3A_233 = vector.broadcast %add3A_232 : i32 to vector<1x99968xi32>
    %add3A_234 = arith.addi %slice3A_231, %add3A_233 : vector<1x99968xi32>
    %reshape3A_235 = vector.shape_cast %add3A_234 : vector<1x99968xi32> to vector<99968xi32>
    %slice3A_236 = vector.extract_strided_slice %add3A_139 {offsets = [7, 0], sizes = [1, 128], strides = [1, 1]} : vector<8x128xi32> to vector<1x128xi32>
    %reshape3A_237 = vector.shape_cast %slice3A_236 : vector<1x128xi32> to vector<128xi32>
    %add3A_238 = arith.constant 262144 : i32
    %add3A_239 = vector.broadcast %add3A_238 : i32 to vector<128xi32>
    %add3A_240 = arith.addi %reshape3A_237, %add3A_239 : vector<128xi32>
    %jit3A_241 = arith.constant 0 : i32
    %broadcast_in_dim3A_242 = vector.broadcast %jit3A_241 : i32 to vector<128xi32>
    %select_n3A_243 = arith.select %lt3A_1, %add3A_240, %broadcast_in_dim3A_242 : vector<128xi1>, vector<128xi32>
    %concatenate3A_244 = tpu.concatenate %reshape3A_144, %select_n3A_152, %reshape3A_157, %select_n3A_165, %reshape3A_170, %select_n3A_178, %reshape3A_183, %select_n3A_191, %reshape3A_196, %select_n3A_204, %reshape3A_209, %select_n3A_217, %reshape3A_222, %select_n3A_230, %reshape3A_235, %select_n3A_243 in 0 : vector<99968xi32>, vector<128xi32>, vector<99968xi32>, vector<128xi32>, vector<99968xi32>, vector<128xi32>, vector<99968xi32>, vector<128xi32>, vector<99968xi32>, vector<128xi32>, vector<99968xi32>, vector<128xi32>, vector<99968xi32>, vector<128xi32>, vector<99968xi32>, vector<128xi32> -> vector<800768xi32>
    %swap3A_245 = arith.constant 0 : index
    %swap3A_246 = vector.load %arg12[%swap3A_245] : memref<800768xi32, #tpu.memory_space<vmem>>, vector<800768xi32>
    tpu.vector_store %arg12[%swap3A_245], %concatenate3A_244 {strides = array<i32>} : memref<800768xi32, #tpu.memory_space<vmem>>, vector<800768xi32>,
    %get3A_247 = arith.constant 0 : index
    %get3A_248 = arith.constant 0 : index
    %get3A_249 = vector.load %arg9[%get3A_247, %get3A_248] : memref<8x99968xf32, #tpu.memory_space<vmem>>, vector<1x99968xf32>
    %reshape3A_250 = vector.shape_cast %get3A_249 : vector<1x99968xf32> to vector<99968xf32>
    %get3A_251 = arith.constant 0 : index
    %get3A_252 = arith.constant 0 : index
    %get3A_253 = vector.load %arg10[%get3A_251, %get3A_252] : memref<8x128xf32, #tpu.memory_space<vmem>>, vector<1x128xf32>
    %reshape3A_254 = vector.shape_cast %get3A_253 : vector<1x128xf32> to vector<128xf32>
    %jit3A_255 = arith.constant 0.000000e+00 : f32
    %broadcast_in_dim3A_256 = vector.broadcast %jit3A_255 : f32 to vector<128xf32>
    %select_n3A_257 = arith.select %lt3A_1, %reshape3A_254, %broadcast_in_dim3A_256 : vector<128xi1>, vector<128xf32>
    %get3A_258 = arith.constant 1 : index
    %get3A_259 = arith.constant 0 : index
    %get3A_260 = vector.load %arg9[%get3A_258, %get3A_259] : memref<8x99968xf32, #tpu.memory_space<vmem>>, vector<1x99968xf32>
    %reshape3A_261 = vector.shape_cast %get3A_260 : vector<1x99968xf32> to vector<99968xf32>
    %get3A_262 = arith.constant 1 : index
    %get3A_263 = arith.constant 0 : index
    %get3A_264 = vector.load %arg10[%get3A_262, %get3A_263] : memref<8x128xf32, #tpu.memory_space<vmem>>, vector<1x128xf32>
    %reshape3A_265 = vector.shape_cast %get3A_264 : vector<1x128xf32> to vector<128xf32>
    %jit3A_266 = arith.constant 0.000000e+00 : f32
    %broadcast_in_dim3A_267 = vector.broadcast %jit3A_266 : f32 to vector<128xf32>
    %select_n3A_268 = arith.select %lt3A_1, %reshape3A_265, %broadcast_in_dim3A_267 : vector<128xi1>, vector<128xf32>
    %get3A_269 = arith.constant 2 : index
    %get3A_270 = arith.constant 0 : index
    %get3A_271 = vector.load %arg9[%get3A_269, %get3A_270] : memref<8x99968xf32, #tpu.memory_space<vmem>>, vector<1x99968xf32>
    %reshape3A_272 = vector.shape_cast %get3A_271 : vector<1x99968xf32> to vector<99968xf32>
    %get3A_273 = arith.constant 2 : index
    %get3A_274 = arith.constant 0 : index
    %get3A_275 = vector.load %arg10[%get3A_273, %get3A_274] : memref<8x128xf32, #tpu.memory_space<vmem>>, vector<1x128xf32>
    %reshape3A_276 = vector.shape_cast %get3A_275 : vector<1x128xf32> to vector<128xf32>
    %jit3A_277 = arith.constant 0.000000e+00 : f32
    %broadcast_in_dim3A_278 = vector.broadcast %jit3A_277 : f32 to vector<128xf32>
    %select_n3A_279 = arith.select %lt3A_1, %reshape3A_276, %broadcast_in_dim3A_278 : vector<128xi1>, vector<128xf32>
    %get3A_280 = arith.constant 3 : index
    %get3A_281 = arith.constant 0 : index
    %get3A_282 = vector.load %arg9[%get3A_280, %get3A_281] : memref<8x99968xf32, #tpu.memory_space<vmem>>, vector<1x99968xf32>
    %reshape3A_283 = vector.shape_cast %get3A_282 : vector<1x99968xf32> to vector<99968xf32>
    %get3A_284 = arith.constant 3 : index
    %get3A_285 = arith.constant 0 : index
    %get3A_286 = vector.load %arg10[%get3A_284, %get3A_285] : memref<8x128xf32, #tpu.memory_space<vmem>>, vector<1x128xf32>
    %reshape3A_287 = vector.shape_cast %get3A_286 : vector<1x128xf32> to vector<128xf32>
    %jit3A_288 = arith.constant 0.000000e+00 : f32
    %broadcast_in_dim3A_289 = vector.broadcast %jit3A_288 : f32 to vector<128xf32>
    %select_n3A_290 = arith.select %lt3A_1, %reshape3A_287, %broadcast_in_dim3A_289 : vector<128xi1>, vector<128xf32>
    %get3A_291 = arith.constant 4 : index
    %get3A_292 = arith.constant 0 : index
    %get3A_293 = vector.load %arg9[%get3A_291, %get3A_292] : memref<8x99968xf32, #tpu.memory_space<vmem>>, vector<1x99968xf32>
    %reshape3A_294 = vector.shape_cast %get3A_293 : vector<1x99968xf32> to vector<99968xf32>
    %get3A_295 = arith.constant 4 : index
    %get3A_296 = arith.constant 0 : index
    %get3A_297 = vector.load %arg10[%get3A_295, %get3A_296] : memref<8x128xf32, #tpu.memory_space<vmem>>, vector<1x128xf32>
    %reshape3A_298 = vector.shape_cast %get3A_297 : vector<1x128xf32> to vector<128xf32>
    %jit3A_299 = arith.constant 0.000000e+00 : f32
    %broadcast_in_dim3A_300 = vector.broadcast %jit3A_299 : f32 to vector<128xf32>
    %select_n3A_301 = arith.select %lt3A_1, %reshape3A_298, %broadcast_in_dim3A_300 : vector<128xi1>, vector<128xf32>
    %get3A_302 = arith.constant 5 : index
    %get3A_303 = arith.constant 0 : index
    %get3A_304 = vector.load %arg9[%get3A_302, %get3A_303] : memref<8x99968xf32, #tpu.memory_space<vmem>>, vector<1x99968xf32>
    %reshape3A_305 = vector.shape_cast %get3A_304 : vector<1x99968xf32> to vector<99968xf32>
    %get3A_306 = arith.constant 5 : index
    %get3A_307 = arith.constant 0 : index
    %get3A_308 = vector.load %arg10[%get3A_306, %get3A_307] : memref<8x128xf32, #tpu.memory_space<vmem>>, vector<1x128xf32>
    %reshape3A_309 = vector.shape_cast %get3A_308 : vector<1x128xf32> to vector<128xf32>
    %jit3A_310 = arith.constant 0.000000e+00 : f32
    %broadcast_in_dim3A_311 = vector.broadcast %jit3A_310 : f32 to vector<128xf32>
    %select_n3A_312 = arith.select %lt3A_1, %reshape3A_309, %broadcast_in_dim3A_311 : vector<128xi1>, vector<128xf32>
    %get3A_313 = arith.constant 6 : index
    %get3A_314 = arith.constant 0 : index
    %get3A_315 = vector.load %arg9[%get3A_313, %get3A_314] : memref<8x99968xf32, #tpu.memory_space<vmem>>, vector<1x99968xf32>
    %reshape3A_316 = vector.shape_cast %get3A_315 : vector<1x99968xf32> to vector<99968xf32>
    %get3A_317 = arith.constant 6 : index
    %get3A_318 = arith.constant 0 : index
    %get3A_319 = vector.load %arg10[%get3A_317, %get3A_318] : memref<8x128xf32, #tpu.memory_space<vmem>>, vector<1x128xf32>
    %reshape3A_320 = vector.shape_cast %get3A_319 : vector<1x128xf32> to vector<128xf32>
    %jit3A_321 = arith.constant 0.000000e+00 : f32
    %broadcast_in_dim3A_322 = vector.broadcast %jit3A_321 : f32 to vector<128xf32>
    %select_n3A_323 = arith.select %lt3A_1, %reshape3A_320, %broadcast_in_dim3A_322 : vector<128xi1>, vector<128xf32>
    %get3A_324 = arith.constant 7 : index
    %get3A_325 = arith.constant 0 : index
    %get3A_326 = vector.load %arg9[%get3A_324, %get3A_325] : memref<8x99968xf32, #tpu.memory_space<vmem>>, vector<1x99968xf32>
    %reshape3A_327 = vector.shape_cast %get3A_326 : vector<1x99968xf32> to vector<99968xf32>
    %get3A_328 = arith.constant 7 : index
    %get3A_329 = arith.constant 0 : index
    %get3A_330 = vector.load %arg10[%get3A_328, %get3A_329] : memref<8x128xf32, #tpu.memory_space<vmem>>, vector<1x128xf32>
    %reshape3A_331 = vector.shape_cast %get3A_330 : vector<1x128xf32> to vector<128xf32>
    %jit3A_332 = arith.constant 0.000000e+00 : f32
    %broadcast_in_dim3A_333 = vector.broadcast %jit3A_332 : f32 to vector<128xf32>
    %select_n3A_334 = arith.select %lt3A_1, %reshape3A_331, %broadcast_in_dim3A_333 : vector<128xi1>, vector<128xf32>
    %concatenate3A_335 = tpu.concatenate %reshape3A_250, %select_n3A_257, %reshape3A_261, %select_n3A_268, %reshape3A_272, %select_n3A_279, %reshape3A_283, %select_n3A_290, %reshape3A_294, %select_n3A_301, %reshape3A_305, %select_n3A_312, %reshape3A_316, %select_n3A_323, %reshape3A_327, %select_n3A_334 in 0 : vector<99968xf32>, vector<128xf32>, vector<99968xf32>, vector<128xf32>, vector<99968xf32>, vector<128xf32>, vector<99968xf32>, vector<128xf32>, vector<99968xf32>, vector<128xf32>, vector<99968xf32>, vector<128xf32>, vector<99968xf32>, vector<128xf32>, vector<99968xf32>, vector<128xf32> -> vector<800768xf32>
    %swap3A_336 = arith.constant 0 : index
    %swap3A_337 = vector.load %arg13[%swap3A_336] : memref<800768xf32, #tpu.memory_space<vmem>>, vector<800768xf32>
    tpu.vector_store %arg13[%swap3A_336], %concatenate3A_335 {strides = array<i32>} : memref<800768xf32, #tpu.memory_space<vmem>>, vector<800768xf32>,
    return
  }
  func.func @transform_0(%arg0: i32) -> (i32, i32) {
    %c0_i32 = arith.constant 0 : i32
    %c0_i32_0 = arith.constant 0 : i32
    %c0_i32_1 = arith.constant 0 : i32
    return %c0_i32, %c0_i32_0 : i32, i32
  }
  func.func @transform_1(%arg0: i32) -> (i32, i32) {
    %c0_i32 = arith.constant 0 : i32
    %c781_i32 = arith.constant 781 : i32
    %c0_i32_0 = arith.constant 0 : i32
    return %c0_i32, %c781_i32 : i32, i32
  }
  func.func @transform_2(%arg0: i32) -> (i32, i32) {
    %c0_i32 = arith.constant 0 : i32
    %c0_i32_0 = arith.constant 0 : i32
    %c0_i32_1 = arith.constant 0 : i32
    return %c0_i32, %c0_i32_0 : i32, i32
  }
  func.func @transform_3(%arg0: i32) -> (i32, i32) {
    %c0_i32 = arith.constant 0 : i32
    %c781_i32 = arith.constant 781 : i32
    %c0_i32_0 = arith.constant 0 : i32
    return %c0_i32, %c781_i32 : i32, i32
  }
  func.func @transform_4(%arg0: i32) -> (i32, i32) {
    %c0_i32 = arith.constant 0 : i32
    %c0_i32_0 = arith.constant 0 : i32
    %c0_i32_1 = arith.constant 0 : i32
    return %c0_i32, %c0_i32_0 : i32, i32
  }
  func.func @transform_5(%arg0: i32) -> (i32, i32) {
    %c0_i32 = arith.constant 0 : i32
    %c781_i32 = arith.constant 781 : i32
    %c0_i32_0 = arith.constant 0 : i32
    return %c0_i32, %c781_i32 : i32, i32
  }
  func.func @transform_6(%arg0: i32) -> (i32, i32) {
    %c0_i32 = arith.constant 0 : i32
    %c0_i32_0 = arith.constant 0 : i32
    %c0_i32_1 = arith.constant 0 : i32
    return %c0_i32, %c0_i32_0 : i32, i32
  }
  func.func @transform_7(%arg0: i32) -> (i32, i32) {
    %c0_i32 = arith.constant 0 : i32
    %c781_i32 = arith.constant 781 : i32
    %c0_i32_0 = arith.constant 0 : i32
    return %c0_i32, %c781_i32 : i32, i32
  }
  func.func @transform_8(%arg0: i32) -> (i32, i32) {
    %c0_i32 = arith.constant 0 : i32
    %c0_i32_0 = arith.constant 0 : i32
    %c0_i32_1 = arith.constant 0 : i32
    return %c0_i32, %c0_i32_0 : i32, i32
  }
  func.func @transform_9(%arg0: i32) -> (i32, i32) {
    %c0_i32 = arith.constant 0 : i32
    %c781_i32 = arith.constant 781 : i32
    %c0_i32_0 = arith.constant 0 : i32
    return %c0_i32, %c781_i32 : i32, i32
  }
  func.func @transform_10(%arg0: i32) -> i32 {
    %c0_i32 = arith.constant 0 : i32
    %c0_i32_0 = arith.constant 0 : i32
    return %c0_i32 : i32
  }
  func.func @transform_11(%arg0: i32) -> i32 {
    %c0_i32 = arith.constant 0 : i32
    %c0_i32_0 = arith.constant 0 : i32
    return %c0_i32 : i32
  }
  func.func @transform_12(%arg0: i32) -> i32 {
    %c0_i32 = arith.constant 0 : i32
    %c0_i32_0 = arith.constant 0 : i32
    return %c0_i32 : i32
  }
}

module attributes {stable_mosaic.version = 14 : i64} {
  func.func @_loss_body(%arg0: memref<6256x128xf32, #tpu.memory_space<vmem>>, %arg1: memref<6256x128xf32, #tpu.memory_space<vmem>>, %arg2: memref<6256x128xf32, #tpu.memory_space<vmem>>, %arg3: memref<1x1xf32, #tpu.memory_space<smem>>) attributes {dimension_semantics = [], scalar_prefetch = 0 : i64, scratch_operands = 0 : i64, tpu.core_type = #tpu.core_type<tc>} {
    %get3A = arith.constant 0 : index
    %get3A_0 = arith.constant 0 : index
    %get3A_1 = vector.load %arg0[%get3A, %get3A_0] : memref<6256x128xf32, #tpu.memory_space<vmem>>, vector<6256x128xf32>
    %get3A_2 = arith.constant 0 : index
    %get3A_3 = arith.constant 0 : index
    %get3A_4 = vector.load %arg1[%get3A_2, %get3A_3] : memref<6256x128xf32, #tpu.memory_space<vmem>>, vector<6256x128xf32>
    %sub3A = arith.subf %get3A_1, %get3A_4 : vector<6256x128xf32>
    %get3A_5 = arith.constant 0 : index
    %get3A_6 = arith.constant 0 : index
    %get3A_7 = vector.load %arg2[%get3A_5, %get3A_6] : memref<6256x128xf32, #tpu.memory_space<vmem>>, vector<6256x128xf32>
    %abs3A = math.absf %get3A_7 : vector<6256x128xf32>
    %neg3A = arith.constant 0.000000e+00 : f32
    %neg3A_8 = vector.broadcast %neg3A : f32 to vector<6256x128xf32>
    %neg3A_9 = arith.subf %neg3A_8, %get3A_7 : vector<6256x128xf32>
    %mul3A = arith.mulf %neg3A_9, %sub3A : vector<6256x128xf32>
    %exp3A = math.exp %mul3A : vector<6256x128xf32>
    %add3A = arith.constant 1.000000e+00 : f32
    %add3A_10 = vector.broadcast %add3A : f32 to vector<6256x128xf32>
    %add3A_11 = arith.addf %add3A_10, %exp3A : vector<6256x128xf32>
    %log3A = math.log %add3A_11 : vector<6256x128xf32>
    %mul3A_12 = arith.mulf %abs3A, %log3A : vector<6256x128xf32>
    %sub3A_13 = arith.constant 1.000000e+00 : f32
    %sub3A_14 = vector.broadcast %sub3A_13 : f32 to vector<6256x128xf32>
    %sub3A_15 = arith.subf %sub3A_14, %abs3A : vector<6256x128xf32>
    %mul3A_16 = arith.mulf %sub3A, %sub3A : vector<6256x128xf32>
    %mul3A_17 = arith.mulf %sub3A_15, %mul3A_16 : vector<6256x128xf32>
    %add3A_18 = arith.addf %mul3A_12, %mul3A_17 : vector<6256x128xf32>
    %reduce_sum3A = vector.shape_cast %add3A_18 : vector<6256x128xf32> to vector<1x6256x128xf32>
    %reduce_sum3A_19 = arith.constant dense<0.000000e+00> : vector<1xf32>
    %reduce_sum3A_20 = vector.multi_reduction <add>, %reduce_sum3A, %reduce_sum3A_19 [1, 2] : vector<1x6256x128xf32> to vector<1xf32>
    %reduce_sum3A_21 = vector.shape_cast %reduce_sum3A_20 : vector<1xf32> to vector<1x1x1xf32>
    %reduce_sum3A_22 = vector.extract %reduce_sum3A_21[0, 0, 0] : f32 from vector<1x1x1xf32>
    %div3A = arith.constant 8.000000e+05 : f32
    %div3A_23 = arith.divf %reduce_sum3A_22, %div3A : f32
    %swap3A = arith.constant 0 : index
    %swap3A_24 = arith.constant 0 : index
    %swap3A_25 = memref.load %arg3[%swap3A, %swap3A_24] : memref<1x1xf32, #tpu.memory_space<smem>>
    memref.store %div3A_23, %arg3[%swap3A, %swap3A_24] : memref<1x1xf32, #tpu.memory_space<smem>>
    return
  }
}

</mosaic_0001>

<sc_bundles>
// kernel: kernel.5.cloned.1.call-start
scs
__scs_entry_jumppad:
0x0: {  	(pc) =	sbr.rel $0x88, $3  }
0x1: {  	(tag) =	ssettag $0x0;
	lr =	simm.s32 $0x1  }
0x2: {  	[smem:$0x3F9B] =	sst lr;
	_ =	strace $0xD0000000  }
0x3: {  	_ = 	snop  }
0x4: {  	_ = 	snop  }
0x5: {  	_ = 	snop  }
0x6: {  	_ = 	snop  }
0x7: {  	_ = 	snop  }
__scs_overlays_trampoline_lowered:
0x8: {  	[smem:$0x3FAA] =	sst s0  }
0x9: {  	[smem:$0x3FAB] =	sst s1  }
0xa: {  	[smem:$0x3FAC] =	sst s2  }
0xb: {  	[smem:$0x3FAD] =	sst s3  }
0xc: {  	[smem:$0x3FAE] =	sst s4  }
0xd: {  	[smem:$0x3FAF] =	sst s5  }
0xe: {  	[smem:$0x3FB0] =	sst s6  }
0xf: {  	[smem:$0x3FB1] =	sst s7  }
0x10: {  	[smem:$0x3FB2] =	sst s8  }
0x11: {  	[smem:$0x3FB3] =	sst s9;
	s0 =	simm.s32 @!p0 $0x0  }
0x12: {  	s1 =	sld [smem:$0x3F99];
	s0 =	simm.s32 @p0 $0x1  }
0x13: {  	[smem:$0x3FB4] =	sst s0;
	s0 =	simm.s32 @!p1 $0x0  }
0x14: {  	s2 =	sld [smem:$0x3F98];
	s0 =	simm.s32 @p1 $0x1  }
0x15: {  	[smem:$0x3FB5] =	sst s0;
	s0 =	simm.s32 @!p2 $0x0  }
0x16: {  	s3 =	sld [smem:$0x3FDB];
	s0 =	simm.s32 @p2 $0x1  }
0x17: {  	s4 =	simm.s32 $0x1BF5;
	[smem:$0x3FB7] =	sst s0  }
0x18: {  	s0 =	sld [smem:$0x3F9A];
	_ =	swait.ge [sflag:s4], $0x0  }
0x19: {  	s7 =	sld [smem:$0x3F9B]  }
0x1a: {  	s8 =	sadd.s32 $0xFFFFE003, lr  }
0x1b: {  	s9 =	sadd.s32 $0xFFFFFEF7, lr;
	s5 =	simm.s32 $0xFFFFFFFF;
	p2 =	slt.u32 s8, $0xFFFFF086  }
0x1c: {  	p1 =	slt.u32 s9, $0xF7A;
	s5 =	simm.s32 @!p2 $0x0  }
0x1d: {  	s5 =	simm.s32 @p1 $0x1;
	p0 =	seq.s32 s7, s2  }
0x1e: {  	s7 =	smul.u32 @!p0 $0xF7A, s2;
	p2 =	seq.s32 @!p0 s5, $0x0  }
0x1f: {  	s9 =	smul.u32 $0xF7A, s1;
	s8 =	simm.s32 @!p0 $0x1BF5;
	p2 =	por !p2, p0  }
0x20: {  	[sflag:s8] =	ssyncset.s32 @!p0 $0xFFFFF086;
	s6 =	sadd.s32 @!p0 s3, s7;
	s7 =	simm.s32 @!p0 $0x108  }
0x21: {  	s3 =	sadd.s32 s3, s9;
	s6 =	sadd.s32 @!p0 $0x88, s6;
	s7 =	simm.s32 @p2 $0x1082  }
0x22: {  	[simem:s7], [sflag:s8] =	dma.local @!p0 [hbm:s6], $0xF7A  }
0x23: {  	s9 =	sor.u32 $0xD0000000, s2;
	s6 =	simm.s32 $0x108;
	_ =	swait.ge @!p0 [sflag:s8], $0x0  }
0x24: {  	s3 =	sadd.s32 $0x88, s3;
	s6 =	simm.s32 @!p1 $0x1082;
	[sflag:s4] =	ssyncset.s32 $0xFFFFF086  }
0x25: {  	[simem:s6], [sflag:s4] =	dma.local [hbm:s3], $0xF7A  }
0x26: {  	[smem:$0x3F9B] =	sst s1;
	(tag) =	ssettag s2;
	_ =	strace s9  }
0x27: {  	s1 =	sld [smem:$0x3FAB]  }
0x28: {  	s2 =	sld [smem:$0x3FAC]  }
0x29: {  	s4 =	sld [smem:$0x3FAE]  }
0x2a: {  	p0 =	seq.s32 s5, $0x0;
	s5 =	sld [smem:$0x3FAF]  }
0x2b: {  	s6 =	sld [smem:$0x3FB0]  }
0x2c: {  	s7 =	sld [smem:$0x3FB1]  }
0x2d: {  	s3 =	simm.s32 $0x108;
	s8 =	sld [smem:$0x3FB2]  }
0x2e: {  	s3 =	simm.s32 @!p0 $0x1082;
	s9 =	sld [smem:$0x3FB3]  }
0x2f: {  	lr =	sadd.s32 s0, s3;
	s0 =	sld [smem:$0x3FAA]  }
0x30: {  	s3 =	sld [smem:$0x3FAD]  }
0x31: {  	[smem:$0x3FB6] =	sst s10  }
0x32: {  	s10 =	sld [smem:$0x3FB4];
	_ =	sdelay $0x3  }
0x33: {  	p0 =	seq.s32 s10, $0x1;
	s10 =	sld [smem:$0x3FB6];
	_ =	sdelay $0x3  }
0x34: {  	[smem:$0x3FB6] =	sst s10  }
0x35: {  	s10 =	sld [smem:$0x3FB5];
	_ =	sdelay $0x3  }
0x36: {  	p1 =	seq.s32 s10, $0x1;
	s10 =	sld [smem:$0x3FB6];
	_ =	sdelay $0x3  }
0x37: {  	[smem:$0x3FB6] =	sst s10  }
0x38: {  	s10 =	sld [smem:$0x3FB7]  }
0x39: {  	_ = 	snop;
	(pc) =	sbr.ind lr, $3  }
0x3a: {  	_ = 	snop  }
0x3b: {  	_ = 	snop  }
0x3c: {  	p2 =	seq.s32 s10, $0x1;
	s10 =	sld [smem:$0x3FB6]  }
0x3d: {  	_ =	shalt  }
0x3e: {  	_ =	shalt  }
0x3f: {  	_ =	shalt  }
0x40: {  	_ =	shalt  }
0x41: {  	_ =	shalt  }
0x42: {  	_ =	shalt  }
0x43: {  	_ =	shalt  }
0x44: {  	_ =	shalt  }
0x45: {  	_ =	shalt  }
0x46: {  	_ =	shalt  }
0x47: {  	_ =	shalt  }
0x48: {  	_ =	shalt  }
0x49: {  	_ =	shalt  }
0x4a: {  	_ =	shalt  }
0x4b: {  	_ =	shalt  }
0x4c: {  	_ =	shalt  }
0x4d: {  	_ =	shalt  }
0x4e: {  	_ =	shalt  }
0x4f: {  	_ =	shalt  }
0x50: {  	_ =	shalt  }
0x51: {  	_ =	shalt  }
0x52: {  	_ =	shalt  }
0x53: {  	_ =	shalt  }
0x54: {  	_ =	shalt  }
0x55: {  	_ =	shalt  }
0x56: {  	_ =	shalt  }
0x57: {  	_ =	shalt  }
0x58: {  	_ =	shalt  }
0x59: {  	_ =	shalt  }
0x5a: {  	_ =	shalt  }
0x5b: {  	_ =	shalt  }
0x5c: {  	_ =	shalt  }
0x5d: {  	_ =	shalt  }
0x5e: {  	_ =	shalt  }
0x5f: {  	_ =	shalt  }
0x60: {  	_ =	shalt  }
0x61: {  	_ =	shalt  }
0x62: {  	_ =	shalt  }
0x63: {  	_ =	shalt  }
0x64: {  	_ =	shalt  }
0x65: {  	_ =	shalt  }
0x66: {  	_ =	shalt  }
0x67: {  	_ =	shalt  }
0x68: {  	_ =	shalt  }
0x69: {  	_ =	shalt  }
0x6a: {  	_ =	shalt  }
0x6b: {  	_ =	shalt  }
0x6c: {  	_ =	shalt  }
0x6d: {  	_ =	shalt  }
0x6e: {  	_ =	shalt  }
0x6f: {  	_ =	shalt  }
0x70: {  	_ =	shalt  }
0x71: {  	_ =	shalt  }
0x72: {  	_ =	shalt  }
0x73: {  	_ =	shalt  }
0x74: {  	_ =	shalt  }
0x75: {  	_ =	shalt  }
0x76: {  	_ =	shalt  }
0x77: {  	_ =	shalt  }
0x78: {  	_ =	shalt  }
0x79: {  	_ =	shalt  }
0x7a: {  	_ =	shalt  }
0x7b: {  	_ =	shalt  }
0x7c: {  	_ =	shalt  }
0x7d: {  	_ =	shalt  }
0x7e: {  	_ =	shalt  }
0x7f: {  	_ =	shalt  }
0x80: {  	_ =	shalt  }
0x81: {  	_ =	shalt  }
0x82: {  	_ =	shalt  }
0x83: {  	_ =	shalt  }
0x84: {  	_ =	shalt  }
0x85: {  	_ =	shalt  }
0x86: {  	_ =	shalt  }
0x87: {  	_ =	shalt  }
.Lfunc_end0:
.L_simem_size_0:
called_computation_lowered:
.L_overlay_start_0:
0x88: {  	s2 =	sld [smem:$0x3FD9]  }
0x89: {  	s3 =	sld [smem:$0x3FFE];
	_ =	sdelay $0x1  }
0x8a: {  	s1 =	srdreg.scid  }
0x8b: {  	s0 =	sand.u32 $0x1, s1  }
0x8c: {  	s16 =	sshll.u32 s0, $0xA;
	s2 =	sadd.s32 s3, s2  }
0x8d: {  	s2 =	sadd.s32 s2, s16  }
0x8e: {  	[smem:$0x3FC2] =	sst s2  }
0x8f: {  	_ = 	snop  }
0x90: {  	(tm) =	ssettm $0x1  }
0x91: {  	s17 =	sld [smem:$0x3FFB];
	_ =	sdelay $0x3  }
0x92: {  	_ =	strace s17  }
0x93: {  	s2 =	sld [smem:$0x3FFC];
	_ =	sdelay $0x3  }
0x94: {  	_ =	strace s2  }
0x95: {  	s2 =	sld [smem:$0x3FFD];
	_ =	sdelay $0x3  }
0x96: {  	_ =	strace s2  }
0x97: {  	_ =	strace $0x8FFFFFFF  }
0x98: {  	s18 =	sld [smem:$0x3FDB];
	_ =	sdelay $0x1  }
0x99: {  	s19 =	simm.s32 $_scs_section_size  }
0x9a: {  	s4 =	simm.s32 $_size__tile_overlayer_lowered;
	s5 =	simm.s32 $_tile_overlayer_lowered  }
0x9b: {  	s22 =	simm.s32 $0x1BFF;
	s21 =	sshll.u32 s5, $0x1;
	s2 =	sadd.s32 s19, s18  }
0x9c: {  	s6 =	simm.s32 $0x0;
	s20 =	sshll.u32 s4, $0x1;
	s4 =	sadd.s32 s21, s2  }
0x9d: {  	[timem:s6], [sflag:s22] =	dma.local [hbm:s4], s20  }
0x9e: {  	_ =	swait.ge [sflag:s22], s20  }
0x9f: {  	s3 =	ssub.s32 $0x0, s20;
	[sflag:s22] =	ssyncset.done $0x0  }
0xa0: {  	[sflag:s22] =	ssyncadd.s32 s3;
	_ =	sdelay $0x1  }
0xa1: {  	s23 =	simm.s32 $0x1B8B  }
0xa2: {  	_ =	swait.ge [sflag:s23], $0x1  }
0xa3: {  	[sflag:s23] =	ssyncset.done $0x0  }
0xa4: {  	s25 =	simm.s32 $0x1B8E;
	s24 =	sld [smem:$0x3FFE];
	[sflag:s23] =	ssyncadd.s32 $0xFFFFFFFF  }
0xa5: {  	s26 =	simm.s32 $execute0_lowered;
	[smem:$0x3FD2] =	sst s25  }
0xa6: {  	s4 =	sshll.u32 s26, $0x1;
	_ =	strace $0x80000046;
	[dreg:$0x1] =	wrdreg $0xFFFFFFFF  }
0xa7: {  	s28 =	simm.s32 $_size_execute0_lowered;
	s2 =	sadd.s32 s2, s4;
	[dreg:$0x0] =	wrdreg $0x0  }
0xa8: {  	s4 =	sshll.u32 s28, $0x1;
	[dreg:$0x2] =	wrdreg s2  }
0xa9: {  	[dreg:$0x3] =	wrdreg s4  }
0xaa: {  	[dreg:$0x4] =	wrdreg $0xC0  }
0xab: {  	_ =	task [dreg:s6], $0x5FFFF  }
0xac: {  	[dreg:$0x1] =	wrdreg $0xFFFFFFFF  }
0xad: {  	[dreg:$0x0] =	wrdreg $0x60  }
0xae: {  	[dreg:$0x2] =	wrdreg s24  }
0xaf: {  	[dreg:$0x3] =	wrdreg $0x126000  }
0xb0: {  	[dreg:$0x4] =	wrdreg $0x9  }
0xb1: {  	_ =	task.clear_ibuf [dreg:s6], $0x5FFFF;
	_ =	strace $0x90000046  }
0xb2: {  	s29 =	simm.s32 $0x9;
	_ =	strace $0x80000048  }
0xb3: {  	_ =	swait.ge [sflag:s29], $0x1  }
0xb4: {  	[sflag:s29] =	ssyncadd.s32 $0xFFFFFFFF  }
0xb5: {  	_ =	strace $0x90000048  }
0xb6: {  	_ =	sfence  }
0xb7: {  	s30 =	sld [smem:$0x0];
	_ =	sdelay $0x2  }
0xb8: {  	s31 =	sshll.u32 s1, $0xD;
	s1 =	sshrl.u32 s1, $0x2  }
0xb9: {  	s3 =	sand.u32 $0x4000, s31;
	s1 =	sadd.s32 s1, s30  }
0xba: {  	s0 =	sor.u32 s3, s0;
	s1 =	sshll.u32 s1, $0x11  }
0xbb: {  	s0 =	sor.u32 s1, s0  }
0xbc: {  	s0 =	sadd.s32 $0x8F2B, s0  }
0xbd: {  	[sflag:s0] =	ssyncadd.remote.s32 $0x1  }
0xbe: {  	_ =	sfence.sel $0xFFFF  }
0xbf: {  	[dreg:$0x0] =	wrdreg $0xFFFFFFFF;
	(pc) =	sbr.abs _section_cstart, $3  }
0xc0: {  	[dreg:$0x1] =	wrdreg $0xFFFFFFFF  }
0xc1: {  	_ =	task.clear_ibuf [dreg:s6], $0x2FFFF;
	_ =	strace $0x9FFFFFFF  }
0xc2: {  	(tm) =	ssettm $0x7FFFFFFF  }
0xc3: {  	_ =	shalt  }
tec
execute0_lowered:
.L_overlay_start_1:
0x0: {  	(tag) =	ssettag $0x1  }
0x1: {  	s22 =	rddreg [dreg:$0x0]  }
0x2: {  	s1 =	rddreg [dreg:$0x1]  }
0x3: {  	s0 =	rddreg [dreg:$0x2];
	s3 =	simm.s32 $0x0;
	s4 =	srdreg.scid  }
0x4: {  	s2 =	stileid.u32;
	[smem:$0x7FF] =	sst s3;
	s23 =	sadd.s32 $0x1A00, s22  }
0x5: {  	s25 =	sand.u32 $0x1, s4;
	s12 =	smul.u32 $0x30E0, s2;
	s24 =	sshll.u32 s2, $0xF  }
0x6: {  	s15 =	sadd.s32 $0x41A00, s22;
	s4 =	sshll.u32 s25, $0x14;
	s5 =	smul.u32 $0x61C00, s25  }
0x7: {  	s6 =	sshll.u32 s2, $0x6;
	_ =	strace $0x80000047;
	s4 =	sor.u32 s24, s4  }
0x8: {  	s7 =	sadd.s32 s24, s1;
	s4 =	sshrl.u32 s4, $0x3;
	s8 =	sadd.s32 s12, s5  }
0x9: {  	s5 =	sor.u32 $0x1C01, s6;
	s4 =	sadd.s32 s23, s4;
	s26 =	sshrl.u32 s8, $0x3  }
0xa: {  	s8 =	sshrl.u32 s7, $0x3;
	s7 =	simm.s32 $0x4;
	s6 =	sadd.s32 s15, s26  }
0xb: {  	[spmem:s8], [sflag:s5] =	dma.local [hbm:s4], $0x1000  }
0xc: {  	[tilespmem:s3], [sflag:$0x4] =	stream.linear.gather [hbm4b:s6+s3], $0x30E0, $0x38;
	[tilespmem:$0x1A600] =	vst v63  }
0xd: {  	_ =	swait.ge [sflag:s7], $0x30E0  }
0xe: {  	s17 =	sadd.s32 $0x5A200, s22;
	[sflag:s7] =	ssyncset.done $0x0  }
0xf: {  	s10 =	simm.s32 $0x3100;
	s9 =	sadd.s32 s17, s26;
	[sflag:s7] =	ssyncadd.s32 $0xFFFFCF20  }
0x10: {  	[tilespmem:s10], [sflag:$0x4] =	stream.linear.gather [hbm4b:s9+s3], $0x30E0, $0x38;
	[tilespmem:$0x1A600] =	vst v63  }
0x11: {  	_ =	swait.ge [sflag:s7], $0x30E0  }
0x12: {  	s11 =	sshll.u32 s25, $0x2;
	[sflag:s7] =	ssyncset.done $0x0  }
0x13: {  	s28 =	sor.u32 $0x2, s11;
	s11 =	simm.s32 $0x1;
	[sflag:s7] =	ssyncadd.s32 $0xFFFFCF20  }
0x14: {  	s13 =	smul.u32 $0x18700, s28;
	_ =	swait.ge [sflag:s11], $0x1000  }
0x15: {  	[sflag:s11] =	ssyncset.done $0x0  }
0x16: {  	s14 =	sadd.s32 s12, s13;
	[sflag:s11] =	ssyncadd.s32 $0xFFFFF000  }
0x17: {  	s12 =	simm.s32 $0x30E0;
	s13 =	simm.s32 $0xC400;
	[bflag:$0x0] =	sbarrier.arrive $0xFFFF  }
0x18: {  	[tilespmem:s13], [sflag:$0x2] =	stream.indirect.gather [spmem:s1], $0x1, s3, s12, $0xb8;
	[tilespmem:$0x1A600] =	vst v63  }
0x19: {  	s29 =	sshrl.u32 s14, $0x3;
	s14 =	simm.s32 $0xF500  }
0x1a: {  	[tilespmem:s14], [sflag:$0x3] =	stream.indirect.gather [spmem:s1], $0x1, s10, s12, $0xb8;
	[tilespmem:$0x1A600] =	vst v63  }
0x1b: {  	s16 =	simm.s32 $0x6200;
	s15 =	sadd.s32 s15, s29  }
0x1c: {  	[tilespmem:s16], [sflag:$0x4] =	stream.linear.gather [hbm4b:s15+s3], $0x30E0, $0x38;
	[tilespmem:$0x1A600] =	vst v63  }
0x1d: {  	_ =	swait.ge [sflag:s7], $0x30E0  }
0x1e: {  	[sflag:s7] =	ssyncset.done $0x0  }
0x1f: {  	s18 =	simm.s32 $0x9300;
	s17 =	sadd.s32 s17, s29;
	[sflag:s7] =	ssyncadd.s32 $0xFFFFCF20  }
0x20: {  	[tilespmem:s18], [sflag:$0x4] =	stream.linear.gather [hbm4b:s17+s3], $0x30E0, $0x38;
	[tilespmem:$0x1A600] =	vst v63  }
0x21: {  	_ =	swait.ge [sflag:s7], $0x30E0  }
0x22: {  	[sflag:s7] =	ssyncset.done $0x0  }
0x23: {  	s19 =	simm.s32 $0x2;
	[sflag:s7] =	ssyncadd.s32 $0xFFFFCF20  }
0x24: {  	_ =	swait.ge [sflag:s19], $0x30E0  }
0x25: {  	s30 =	sadd.s32 $0x72A00, s22;
	[sflag:s19] =	ssyncset.done $0x0  }
0x26: {  	s20 =	sadd.s32 s30, s26;
	[sflag:s19] =	ssyncadd.s32 $0xFFFFCF20  }
0x27: {  	[hbm4b:s20+s3] =	stream.linear.scatter [tilespmem:s13], [sflag:$0x4], $0x30E0, $0x38;
	[tilespmem:$0x1A600] =	vst v63  }
0x28: {  	_ =	swait.ge [sflag:s7], $0x30E0  }
0x29: {  	[sflag:s7] =	ssyncset.done $0x0  }
0x2a: {  	s21 =	simm.s32 $0x3;
	[sflag:s7] =	ssyncadd.s32 $0xFFFFCF20  }
0x2b: {  	_ =	swait.ge [sflag:s21], $0x30E0  }
0x2c: {  	s31 =	sadd.s32 $0x8B200, s22;
	[sflag:s21] =	ssyncset.done $0x0  }
0x2d: {  	s22 =	sadd.s32 s31, s26;
	[sflag:s21] =	ssyncadd.s32 $0xFFFFCF20  }
0x2e: {  	[hbm4b:s22+s3] =	stream.linear.scatter [tilespmem:s14], [sflag:$0x4], $0x30E0, $0x38;
	[tilespmem:$0x1A600] =	vst v63  }
0x2f: {  	s28 =	sshll.u32 s28, $0x12;
	_ =	swait.ge [sflag:s7], $0x30E0  }
0x30: {  	s24 =	sor.u32 s24, s28;
	[sflag:s7] =	ssyncset.done $0x0  }
0x31: {  	s24 =	sshrl.u32 s24, $0x3;
	[sflag:s7] =	ssyncadd.s32 $0xFFFFCF20  }
0x32: {  	s23 =	sadd.s32 s23, s24;
	[bflag:$0x0] =	sbarrier.arrive $0xFFFF  }
0x33: {  	[spmem:s8], [sflag:s5] =	dma.local [hbm:s23], $0x1000  }
0x34: {  	_ =	swait.ge [sflag:s11], $0x1000  }
0x35: {  	[sflag:s11] =	ssyncset.done $0x0  }
0x36: {  	[sflag:s11] =	ssyncadd.s32 $0xFFFFF000  }
0x37: {  	[bflag:$0x0] =	sbarrier.arrive $0xFFFF  }
0x38: {  	[tilespmem:s13], [sflag:$0x2] =	stream.indirect.gather [spmem:s1], $0x1, s16, s12, $0xb8;
	[tilespmem:$0x1A600] =	vst v63  }
0x39: {  	_ = 	snop  }
0x3a: {  	[tilespmem:s14], [sflag:$0x3] =	stream.indirect.gather [spmem:s1], $0x1, s18, s12, $0xb8;
	[tilespmem:$0x1A600] =	vst v63  }
0x3b: {  	_ =	swait.ge [sflag:s19], $0x30E0  }
0x3c: {  	[sflag:s19] =	ssyncset.done $0x0  }
0x3d: {  	s25 =	ssub.s32 $0x2, s25;
	s24 =	sadd.s32 s30, s29;
	[sflag:s19] =	ssyncadd.s32 $0xFFFFCF20  }
0x3e: {  	[hbm4b:s24+s3] =	stream.linear.scatter [tilespmem:s13], [sflag:$0x4], $0x30E0, $0x38;
	[tilespmem:$0x1A600] =	vst v63  }
0x3f: {  	s30 =	sshrl.u32 s25, $0x1;
	_ =	swait.ge [sflag:s7], $0x30E0  }
0x40: {  	s26 =	ssub.s32 s25, s30;
	[sflag:s7] =	ssyncset.done $0x0  }
0x41: {  	s26 =	smax.u32 s26, $0x1;
	[sflag:s7] =	ssyncadd.s32 $0xFFFFCF20  }
0x42: {  	p0 =	sne.s32 s26, $0x1;
	_ =	swait.ge [sflag:s21], $0x30E0  }
.Ltmp0:
0x43: {  	[sflag:s21] =	ssyncset.done $0x0;
	(pc) =	sbr.rel @!p0 .LBB2_2-.Ltmp0, $4  }
0x44: {  	s25 =	sadd.s32 s31, s29;
	[sflag:s21] =	ssyncadd.s32 $0xFFFFCF20  }
0x45: {  	[hbm4b:s25+s3] =	stream.linear.scatter [tilespmem:s14], [sflag:$0x4], $0x30E0, $0x38;
	[tilespmem:$0x1A600] =	vst v63  }
0x46: {  	_ =	swait.ge [sflag:s7], $0x30E0  }
0x47: {  	s26 =	sadd.s32 $0xFFFFFFFF, s26;
	[sflag:s7] =	ssyncset.done $0x0  }
.LBB2_1:
0x48: {  	p0 =	sne.s32 s26, $0x1;
	s26 =	sadd.s32 $0xFFFFFFFF, s26;
	[sflag:s7] =	ssyncadd.s32 $0xFFFFCF20  }
0x49: {  	[spmem:s8], [sflag:s5] =	dma.local [hbm:s4], $0x1000  }
0x4a: {  	[tilespmem:s3], [sflag:$0x4] =	stream.linear.gather [hbm4b:s6+s3], $0x30E0, $0x38;
	[tilespmem:$0x1A600] =	vst v63  }
0x4b: {  	_ =	swait.ge [sflag:s7], $0x30E0  }
0x4c: {  	[sflag:s7] =	ssyncset.done $0x0  }
0x4d: {  	[sflag:s7] =	ssyncadd.s32 $0xFFFFCF20  }
0x4e: {  	[tilespmem:s10], [sflag:$0x4] =	stream.linear.gather [hbm4b:s9+s3], $0x30E0, $0x38;
	[tilespmem:$0x1A600] =	vst v63  }
0x4f: {  	_ =	swait.ge [sflag:s7], $0x30E0  }
0x50: {  	[sflag:s7] =	ssyncset.done $0x0  }
0x51: {  	[sflag:s7] =	ssyncadd.s32 $0xFFFFCF20  }
0x52: {  	_ =	swait.ge [sflag:s11], $0x1000  }
0x53: {  	[sflag:s11] =	ssyncset.done $0x0  }
0x54: {  	[sflag:s11] =	ssyncadd.s32 $0xFFFFF000  }
0x55: {  	[bflag:$0x0] =	sbarrier.arrive $0xFFFF  }
0x56: {  	[tilespmem:s13], [sflag:$0x2] =	stream.indirect.gather [spmem:s1], $0x1, s3, s12, $0xb8;
	[tilespmem:$0x1A600] =	vst v63  }
0x57: {  	_ = 	snop  }
0x58: {  	[tilespmem:s14], [sflag:$0x3] =	stream.indirect.gather [spmem:s1], $0x1, s10, s12, $0xb8;
	[tilespmem:$0x1A600] =	vst v63  }
0x59: {  	_ = 	snop  }
0x5a: {  	[tilespmem:s16], [sflag:$0x4] =	stream.linear.gather [hbm4b:s15+s3], $0x30E0, $0x38;
	[tilespmem:$0x1A600] =	vst v63  }
0x5b: {  	_ =	swait.ge [sflag:s7], $0x30E0  }
0x5c: {  	[sflag:s7] =	ssyncset.done $0x0  }
0x5d: {  	[sflag:s7] =	ssyncadd.s32 $0xFFFFCF20  }
0x5e: {  	[tilespmem:s18], [sflag:$0x4] =	stream.linear.gather [hbm4b:s17+s3], $0x30E0, $0x38;
	[tilespmem:$0x1A600] =	vst v63  }
0x5f: {  	_ =	swait.ge [sflag:s7], $0x30E0  }
0x60: {  	[sflag:s7] =	ssyncset.done $0x0  }
0x61: {  	[sflag:s7] =	ssyncadd.s32 $0xFFFFCF20  }
0x62: {  	_ =	swait.ge [sflag:s19], $0x30E0  }
0x63: {  	[sflag:s19] =	ssyncset.done $0x0  }
0x64: {  	[sflag:s19] =	ssyncadd.s32 $0xFFFFCF20  }
0x65: {  	[hbm4b:s20+s3] =	stream.linear.scatter [tilespmem:s13], [sflag:$0x4], $0x30E0, $0x38;
	[tilespmem:$0x1A600] =	vst v63  }
0x66: {  	_ =	swait.ge [sflag:s7], $0x30E0  }
0x67: {  	[sflag:s7] =	ssyncset.done $0x0  }
0x68: {  	[sflag:s7] =	ssyncadd.s32 $0xFFFFCF20  }
0x69: {  	_ =	swait.ge [sflag:s21], $0x30E0  }
0x6a: {  	[sflag:s21] =	ssyncset.done $0x0  }
0x6b: {  	[sflag:s21] =	ssyncadd.s32 $0xFFFFCF20  }
0x6c: {  	[hbm4b:s22+s3] =	stream.linear.scatter [tilespmem:s14], [sflag:$0x4], $0x30E0, $0x38;
	[tilespmem:$0x1A600] =	vst v63  }
0x6d: {  	_ =	swait.ge [sflag:s7], $0x30E0  }
0x6e: {  	[sflag:s7] =	ssyncset.done $0x0  }
0x6f: {  	[sflag:s7] =	ssyncadd.s32 $0xFFFFCF20  }
0x70: {  	[bflag:$0x0] =	sbarrier.arrive $0xFFFF  }
0x71: {  	[spmem:s8], [sflag:s5] =	dma.local [hbm:s23], $0x1000  }
0x72: {  	_ =	swait.ge [sflag:s11], $0x1000  }
0x73: {  	[sflag:s11] =	ssyncset.done $0x0  }
0x74: {  	[sflag:s11] =	ssyncadd.s32 $0xFFFFF000  }
0x75: {  	[bflag:$0x0] =	sbarrier.arrive $0xFFFF  }
0x76: {  	[tilespmem:s13], [sflag:$0x2] =	stream.indirect.gather [spmem:s1], $0x1, s16, s12, $0xb8;
	[tilespmem:$0x1A600] =	vst v63  }
0x77: {  	_ = 	snop  }
0x78: {  	[tilespmem:s14], [sflag:$0x3] =	stream.indirect.gather [spmem:s1], $0x1, s18, s12, $0xb8;
	[tilespmem:$0x1A600] =	vst v63  }
0x79: {  	_ =	swait.ge [sflag:s19], $0x30E0  }
0x7a: {  	[sflag:s19] =	ssyncset.done $0x0  }
0x7b: {  	[sflag:s19] =	ssyncadd.s32 $0xFFFFCF20  }
0x7c: {  	[hbm4b:s24+s3] =	stream.linear.scatter [tilespmem:s13], [sflag:$0x4], $0x30E0, $0x38;
	[tilespmem:$0x1A600] =	vst v63  }
0x7d: {  	_ =	swait.ge [sflag:s7], $0x30E0  }
0x7e: {  	[sflag:s7] =	ssyncset.done $0x0  }
0x7f: {  	[sflag:s7] =	ssyncadd.s32 $0xFFFFCF20  }
0x80: {  	_ =	swait.ge [sflag:s21], $0x30E0  }
.Ltmp1:
0x81: {  	[sflag:s21] =	ssyncset.done $0x0;
	(pc) =	sbr.rel @p0 .LBB2_1-.Ltmp1, $4  }
0x82: {  	[sflag:s21] =	ssyncadd.s32 $0xFFFFCF20  }
0x83: {  	[hbm4b:s25+s3] =	stream.linear.scatter [tilespmem:s14], [sflag:$0x4], $0x30E0, $0x38;
	[tilespmem:$0x1A600] =	vst v63  }
0x84: {  	_ =	swait.ge [sflag:s7], $0x30E0  }
0x85: {  	[sflag:s7] =	ssyncset.done $0x0  }
.LBB2_2:
0x86: {  	[sflag:s7] =	ssyncadd.s32 $0xFFFFCF20  }
0x87: {  	_ =	sfence.sel $0x180000  }
0x88: {  	[bflag:$0x0] =	sbarrier.arrive $0xFFFF  }
0x89: {  	p0 =	sne.s32 s2, $0x0;
	_ =	strace $0x90000047  }
0x8a: {  	s0 =	sadd.s32 @!p0 $0x100000, s0;
	[bflag:$0x2] =	sbarrier.arrive $0xFFFF  }
0x8b: {  	[sflag:s0] =	ssyncadd.tile.s32 @!p0 $0x1;
	_ =	shalt  }
.Lfunc_end2:
_tile_overlayer_lowered:
.L_overlay_start_2:
0x8c: {  	(tag) =	ssettag $0x2  }
0x8d: {  	s0 =	rddreg [dreg:$0x0];
	s2 =	stileid.u32  }
0x8e: {  	s1 =	rddreg [dreg:$0x1];
	p0 =	sne.s32 s2, $0x0  }
0x8f: {  	s3 =	rddreg [dreg:$0x2];
	[bflag:$0x3] =	sbarrier.arrive $0xFFFF;
	s2 =	simm.s32 @!p0 $0x1C04  }
0x90: {  	[timem:s3], [sflag:s2] =	dma.local @!p0 [hbm:s0], s1  }
0x91: {  	s0 =	simm.s32 @!p0 $0x4  }
0x92: {  	_ =	swait.ge @!p0 [sflag:s0], s1  }
0x93: {  	s1 =	ssub.s32 @!p0 $0x0, s1;
	[sflag:s0] =	ssyncset.done @!p0 $0x0  }
0x94: {  	[sflag:s0] =	ssyncadd.s32 @!p0 s1  }
0x95: {  	[bflag:$0x3] =	sbarrier.arrive $0xFFFF  }
0x96: {  	_ =	shalt  }

</sc_bundles>
